<compile_context>
chip_gen: v7x
topology: tpu7x:2x2x1
jax: 0.10.2.dev20260603
libtpu: 0.0.44.dev20260713+nightly
codegen_flags: <defaults>
</compile_context>

<pallas_src>
import jax
import jax.numpy as jnp
from jax import lax
from jax.experimental import pallas as pl
from jax.experimental.pallas import tpu as pltpu
from jax.experimental.pallas import tpu_sc as plsc

_N_ROWS = 600000
_D = 128
_CHUNK = 160
_N_CHUNKS = _N_ROWS // _CHUNK
_NC = 2
_NS = 16
_NW = _NC * _NS
_NBUF = 6
_K_PER_W = _NBUF * (-(-(-(-_N_CHUNKS // _NW)) // _NBUF))


def _gather_body(nodes_hbm, idx_hbm, out_hbm, *refs):
    idx_v = refs[0:_NBUF]
    rows_v = refs[_NBUF:2 * _NBUF]
    gsem = refs[2 * _NBUF:3 * _NBUF]
    ssem = refs[3 * _NBUF:4 * _NBUF]
    isem = refs[4 * _NBUF:5 * _NBUF]
    wid = lax.axis_index("s") * _NC + lax.axis_index("c")

    def start_idx_load(k, b):
        base = (wid + k * _NW) * _CHUNK
        pltpu.async_copy(idx_hbm.at[pl.ds(base, _CHUNK)], idx_v[b], isem[b])

    def wait_scatter(b):
        pltpu.make_async_copy(
            rows_v[b], out_hbm.at[pl.ds(0, _CHUNK)], ssem[b]).wait()

    def start_gather(b):
        pltpu.make_async_copy(
            idx_hbm.at[pl.ds(0, _CHUNK)], idx_v[b], isem[b]).wait()
        pltpu.async_copy(nodes_hbm.at[idx_v[b]], rows_v[b], gsem[b])

    start_idx_load(0, 0)
    start_idx_load(1, 1)
    start_gather(0)
    start_gather(1)
    start_idx_load(2, 2)
    start_idx_load(3, 3)

    def step(k, b, b2, b4):
        g_k = wid + k * _NW
        g_2 = g_k + 2 * _NW
        g_4 = g_k + 4 * _NW

        @pl.when(jnp.logical_and(k >= _NBUF - 2, g_2 < _N_CHUNKS))
        def _():
            wait_scatter(b2)

        @pl.when(g_2 < _N_CHUNKS)
        def _():
            start_gather(b2)

        @pl.when(g_4 < _N_CHUNKS)
        def _():
            start_idx_load(k + 4, b4)

        @pl.when(g_k < _N_CHUNKS)
        def _():
            pltpu.make_async_copy(
                nodes_hbm.at[idx_v[b]], rows_v[b], gsem[b]).wait()
            pltpu.async_copy(
                rows_v[b], out_hbm.at[pl.ds(g_k * _CHUNK, _CHUNK)], ssem[b])

    def quad(p, carry):
        k0 = _NBUF * p
        for j in range(_NBUF):
            step(k0 + j, j, (j + 2) % _NBUF, (j + 4) % _NBUF)
        return carry

    lax.fori_loop(0, _K_PER_W // _NBUF, quad, 0)
    for b in range(_NBUF):
        wait_scatter(b)


@jax.jit
def kernel(nodes, triangles_indexes):
    t, v = triangles_indexes.shape
    idx = triangles_indexes.astype(jnp.int32).T.reshape(-1)
    mesh = plsc.VectorSubcoreMesh(core_axis_name="c", subcore_axis_name="s")
    gather = pl.kernel(
        _gather_body,
        out_type=jax.ShapeDtypeStruct((_N_ROWS, _D), jnp.float32),
        mesh=mesh,
        scratch_types=(
            [pltpu.VMEM((_CHUNK,), jnp.int32)] * _NBUF
            + [pltpu.VMEM((_CHUNK, _D), jnp.float32)] * _NBUF
            + [pltpu.SemaphoreType.DMA] * (3 * _NBUF)
        ),
    )
    out = gather(nodes, idx)
    return out.reshape(v, t, _D).transpose(1, 0, 2)

# --- scband reference (transcript-rebuilt; emitter-appended) ---
"""Pipeline reference for scband-triangle-nodes-18872086298688 (READ-ONLY COPY).

The authoritative reference and input builder live on the scoring server;
editing this copy changes nothing except your own understanding.
"""

import jax, jax.numpy as jnp
import numpy as np


def setup_inputs(seed: int = 0) -> dict:
    key = jax.random.key(seed)
    k_nodes, k_idx = jax.random.split(key)
    nodes = jax.random.normal(k_nodes, (100000, 128), dtype=jnp.float32)
    triangles_indexes = jax.random.randint(k_idx, (200000, 3), 0, 100000, dtype=jnp.int64)
    return {"nodes": nodes, "triangles_indexes": triangles_indexes}


def reference(nodes, triangles_indexes):
    # TriangleNodes.forward: self.nodes[triangles_indexes]
    # Gather rows of `nodes` by integer index tensor -> [T, 3, d]
    return jnp.take(nodes, triangles_indexes, axis=0)

if __name__ == "__main__":
    import jax
    _d = setup_inputs()
    print(jax.jit(kernel)(*tuple(_d.values())))

</pallas_src>

<mosaic_0001>
#map = affine_map<(d0, d1) -> (0, 0)>
#map1 = affine_map<(d0, d1) -> (0)>
module attributes {stable_mosaic.version = 14 : i64} {
  func.func @_gather_body(%arg0: i32, %arg1: i32, %arg2: memref<100000x128xf32, #tpu.memory_space<hbm>>, %arg3: memref<600000xi32, #tpu.memory_space<hbm>>, %arg4: memref<600000x128xf32, #tpu.memory_space<hbm>>, %arg5: memref<160xi32, #tpu.memory_space<vmem>>, %arg6: memref<160xi32, #tpu.memory_space<vmem>>, %arg7: memref<160xi32, #tpu.memory_space<vmem>>, %arg8: memref<160xi32, #tpu.memory_space<vmem>>, %arg9: memref<160xi32, #tpu.memory_space<vmem>>, %arg10: memref<160xi32, #tpu.memory_space<vmem>>, %arg11: memref<160x128xf32, #tpu.memory_space<vmem>>, %arg12: memref<160x128xf32, #tpu.memory_space<vmem>>, %arg13: memref<160x128xf32, #tpu.memory_space<vmem>>, %arg14: memref<160x128xf32, #tpu.memory_space<vmem>>, %arg15: memref<160x128xf32, #tpu.memory_space<vmem>>, %arg16: memref<160x128xf32, #tpu.memory_space<vmem>>, %arg17: memref<!tpu.dma_semaphore, #tpu.memory_space<semaphore_mem>>, %arg18: memref<!tpu.dma_semaphore, #tpu.memory_space<semaphore_mem>>, %arg19: memref<!tpu.dma_semaphore, #tpu.memory_space<semaphore_mem>>, %arg20: memref<!tpu.dma_semaphore, #tpu.memory_space<semaphore_mem>>, %arg21: memref<!tpu.dma_semaphore, #tpu.memory_space<semaphore_mem>>, %arg22: memref<!tpu.dma_semaphore, #tpu.memory_space<semaphore_mem>>, %arg23: memref<!tpu.dma_semaphore, #tpu.memory_space<semaphore_mem>>, %arg24: memref<!tpu.dma_semaphore, #tpu.memory_space<semaphore_mem>>, %arg25: memref<!tpu.dma_semaphore, #tpu.memory_space<semaphore_mem>>, %arg26: memref<!tpu.dma_semaphore, #tpu.memory_space<semaphore_mem>>, %arg27: memref<!tpu.dma_semaphore, #tpu.memory_space<semaphore_mem>>, %arg28: memref<!tpu.dma_semaphore, #tpu.memory_space<semaphore_mem>>, %arg29: memref<!tpu.dma_semaphore, #tpu.memory_space<semaphore_mem>>, %arg30: memref<!tpu.dma_semaphore, #tpu.memory_space<semaphore_mem>>, %arg31: memref<!tpu.dma_semaphore, #tpu.memory_space<semaphore_mem>>, %arg32: memref<!tpu.dma_semaphore, #tpu.memory_space<semaphore_mem>>, %arg33: memref<!tpu.dma_semaphore, #tpu.memory_space<semaphore_mem>>, %arg34: memref<!tpu.dma_semaphore, #tpu.memory_space<semaphore_mem>>) attributes {dimension_semantics = [#tpu.dimension_semantics<core_parallel>, #tpu.dimension_semantics<subcore_parallel>], iteration_bounds = array<i64: 2, 16>, scalar_prefetch = 0 : i64, scratch_operands = 30 : i64, tpu.core_type = #tpu.core_type<sc_vector_subcore>, window_params = [{transform_indices = #map}, {transform_indices = #map1}, {transform_indices = #map}]} {
    %mul3A = arith.constant 2 : i32
    %mul3A_0 = arith.muli %arg1, %mul3A : i32
    %add3A = arith.addi %mul3A_0, %arg0 : i32
    %add3A_1 = arith.constant 0 : i32
    %add3A_2 = arith.addi %add3A, %add3A_1 : i32
    %mul3A_3 = arith.constant 160 : i32
    %mul3A_4 = arith.muli %add3A_2, %mul3A_3 : i32
    %dma_start3A = tpu.memref_slice %arg3[%mul3A_4] : memref<600000xi32, #tpu.memory_space<hbm>> -> memref<160xi32, #tpu.memory_space<hbm>>
    %dma_start3A_5 = tpu.memref_slice %arg3[%mul3A_4] : memref<600000xi32, #tpu.memory_space<hbm>> -> memref<160xi32, #tpu.memory_space<hbm>>
    tpu.enqueue_dma source(%dma_start3A_5 : memref<160xi32, #tpu.memory_space<hbm>>) target(%arg5 : memref<160xi32, #tpu.memory_space<vmem>>) target_semaphore(%arg29 : memref<!tpu.dma_semaphore, #tpu.memory_space<semaphore_mem>>)
    %add3A_6 = arith.constant 32 : i32
    %add3A_7 = arith.addi %add3A, %add3A_6 : i32
    %mul3A_8 = arith.constant 160 : i32
    %mul3A_9 = arith.muli %add3A_7, %mul3A_8 : i32
    %dma_start3A_10 = tpu.memref_slice %arg3[%mul3A_9] : memref<600000xi32, #tpu.memory_space<hbm>> -> memref<160xi32, #tpu.memory_space<hbm>>
    %dma_start3A_11 = tpu.memref_slice %arg3[%mul3A_9] : memref<600000xi32, #tpu.memory_space<hbm>> -> memref<160xi32, #tpu.memory_space<hbm>>
    tpu.enqueue_dma source(%dma_start3A_11 : memref<160xi32, #tpu.memory_space<hbm>>) target(%arg6 : memref<160xi32, #tpu.memory_space<vmem>>) target_semaphore(%arg30 : memref<!tpu.dma_semaphore, #tpu.memory_space<semaphore_mem>>)
    %dma_wait3A = arith.constant 0 : i32
    %dma_wait3A_12 = tpu.memref_slice %arg3[%dma_wait3A] : memref<600000xi32, #tpu.memory_space<hbm>> -> memref<160xi32, #tpu.memory_space<hbm>>
    %dma_wait3A_13 = arith.constant 0 : i32
    %dma_wait3A_14 = tpu.memref_slice %arg3[%dma_wait3A_13] : memref<600000xi32, #tpu.memory_space<hbm>> -> memref<160xi32, #tpu.memory_space<hbm>>
    tpu.wait_dma2 semaphore(%arg29 : memref<!tpu.dma_semaphore, #tpu.memory_space<semaphore_mem>>) src(%dma_wait3A_14 : memref<160xi32, #tpu.memory_space<hbm>>) dst(%arg5 : memref<160xi32, #tpu.memory_space<vmem>>)
    %dma_start3A_15 = arith.constant 0 : i32
    %dma_start3A_16 = arith.constant 0 : i32
    %dma_start3A_17 = tpu.memref_slice %arg2[%dma_start3A_15, %dma_start3A_16] : memref<100000x128xf32, #tpu.memory_space<hbm>> -> memref<100000x128xf32, #tpu.memory_space<hbm>>
    tpu.enqueue_indirect_dma source(%dma_start3A_17 : memref<100000x128xf32, #tpu.memory_space<hbm>>) target(%arg11 : memref<160x128xf32, #tpu.memory_space<vmem>>) offsets(%arg5 : memref<160xi32, #tpu.memory_space<vmem>>) semaphore(%arg17 : memref<!tpu.dma_semaphore, #tpu.memory_space<semaphore_mem>>)
    %dma_wait3A_18 = arith.constant 0 : i32
    %dma_wait3A_19 = tpu.memref_slice %arg3[%dma_wait3A_18] : memref<600000xi32, #tpu.memory_space<hbm>> -> memref<160xi32, #tpu.memory_space<hbm>>
    %dma_wait3A_20 = arith.constant 0 : i32
    %dma_wait3A_21 = tpu.memref_slice %arg3[%dma_wait3A_20] : memref<600000xi32, #tpu.memory_space<hbm>> -> memref<160xi32, #tpu.memory_space<hbm>>
    tpu.wait_dma2 semaphore(%arg30 : memref<!tpu.dma_semaphore, #tpu.memory_space<semaphore_mem>>) src(%dma_wait3A_21 : memref<160xi32, #tpu.memory_space<hbm>>) dst(%arg6 : memref<160xi32, #tpu.memory_space<vmem>>)
    %dma_start3A_22 = arith.constant 0 : i32
    %dma_start3A_23 = arith.constant 0 : i32
    %dma_start3A_24 = tpu.memref_slice %arg2[%dma_start3A_22, %dma_start3A_23] : memref<100000x128xf32, #tpu.memory_space<hbm>> -> memref<100000x128xf32, #tpu.memory_space<hbm>>
    tpu.enqueue_indirect_dma source(%dma_start3A_24 : memref<100000x128xf32, #tpu.memory_space<hbm>>) target(%arg12 : memref<160x128xf32, #tpu.memory_space<vmem>>) offsets(%arg6 : memref<160xi32, #tpu.memory_space<vmem>>) semaphore(%arg18 : memref<!tpu.dma_semaphore, #tpu.memory_space<semaphore_mem>>)
    %add3A_25 = arith.constant 64 : i32
    %add3A_26 = arith.addi %add3A, %add3A_25 : i32
    %mul3A_27 = arith.constant 160 : i32
    %mul3A_28 = arith.muli %add3A_26, %mul3A_27 : i32
    %dma_start3A_29 = tpu.memref_slice %arg3[%mul3A_28] : memref<600000xi32, #tpu.memory_space<hbm>> -> memref<160xi32, #tpu.memory_space<hbm>>
    %dma_start3A_30 = tpu.memref_slice %arg3[%mul3A_28] : memref<600000xi32, #tpu.memory_space<hbm>> -> memref<160xi32, #tpu.memory_space<hbm>>
    tpu.enqueue_dma source(%dma_start3A_30 : memref<160xi32, #tpu.memory_space<hbm>>) target(%arg7 : memref<160xi32, #tpu.memory_space<vmem>>) target_semaphore(%arg31 : memref<!tpu.dma_semaphore, #tpu.memory_space<semaphore_mem>>)
    %add3A_31 = arith.constant 96 : i32
    %add3A_32 = arith.addi %add3A, %add3A_31 : i32
    %mul3A_33 = arith.constant 160 : i32
    %mul3A_34 = arith.muli %add3A_32, %mul3A_33 : i32
    %dma_start3A_35 = tpu.memref_slice %arg3[%mul3A_34] : memref<600000xi32, #tpu.memory_space<hbm>> -> memref<160xi32, #tpu.memory_space<hbm>>
    %dma_start3A_36 = tpu.memref_slice %arg3[%mul3A_34] : memref<600000xi32, #tpu.memory_space<hbm>> -> memref<160xi32, #tpu.memory_space<hbm>>
    tpu.enqueue_dma source(%dma_start3A_36 : memref<160xi32, #tpu.memory_space<hbm>>) target(%arg8 : memref<160xi32, #tpu.memory_space<vmem>>) target_semaphore(%arg32 : memref<!tpu.dma_semaphore, #tpu.memory_space<semaphore_mem>>)
    %scan3A = arith.constant 0 : i32
    %scan3A_37 = arith.constant 0 : i32
    %scan3A_38 = arith.constant 20 : i32
    %scan3A_39 = arith.addi %scan3A_37, %scan3A_38 : i32
    %scan3A_40 = arith.constant 1 : i32
    scf.for %scan3A_78 = %scan3A_37 to %scan3A_39 step %scan3A_40  : i32 {
      %mul3A_79 = arith.constant 6 : i32
      %mul3A_80 = arith.muli %mul3A_79, %scan3A_78 : i32
      %add3A_81 = arith.constant 0 : i32
      %add3A_82 = arith.addi %mul3A_80, %add3A_81 : i32
      %mul3A_83 = arith.constant 32 : i32
      %mul3A_84 = arith.muli %add3A_82, %mul3A_83 : i32
      %add3A_85 = arith.addi %add3A, %mul3A_84 : i32
      %add3A_86 = arith.constant 64 : i32
      %add3A_87 = arith.addi %add3A_85, %add3A_86 : i32
      %add3A_88 = arith.constant 128 : i32
      %add3A_89 = arith.addi %add3A_85, %add3A_88 : i32
      %ge3A = arith.constant 4 : i32
      %ge3A_90 = arith.cmpi sge, %add3A_82, %ge3A : i32
      %lt3A = arith.constant 3750 : i32
      %lt3A_91 = arith.cmpi slt, %add3A_87, %lt3A : i32
      %and3A = arith.andi %ge3A_90, %lt3A_91 : i1
      %convert_element_type3A = arith.extui %and3A : i1 to i32
      %cond3A = arith.constant 0 : i32
      %cond3A_92 = arith.cmpi ne, %convert_element_type3A, %cond3A : i32
      scf.if %cond3A_92 {
        %dma_wait3A_268 = arith.constant 0 : i32
        %dma_wait3A_269 = arith.constant 0 : i32
        %dma_wait3A_270 = tpu.memref_slice %arg4[%dma_wait3A_268, %dma_wait3A_269] : memref<600000x128xf32, #tpu.memory_space<hbm>> -> memref<160x128xf32, #tpu.memory_space<hbm>>
        %dma_wait3A_271 = arith.constant 0 : i32
        %dma_wait3A_272 = arith.constant 0 : i32
        %dma_wait3A_273 = tpu.memref_slice %arg4[%dma_wait3A_271, %dma_wait3A_272] : memref<600000x128xf32, #tpu.memory_space<hbm>> -> memref<160x128xf32, #tpu.memory_space<hbm>>
        tpu.wait_dma2 semaphore(%arg25 : memref<!tpu.dma_semaphore, #tpu.memory_space<semaphore_mem>>) src(%arg13 : memref<160x128xf32, #tpu.memory_space<vmem>>) dst(%dma_wait3A_273 : memref<160x128xf32, #tpu.memory_space<hbm>>)
      } else {
      }
      %lt3A_93 = arith.constant 3750 : i32
      %lt3A_94 = arith.cmpi slt, %add3A_87, %lt3A_93 : i32
      %convert_element_type3A_95 = arith.extui %lt3A_94 : i1 to i32
      %cond3A_96 = arith.constant 0 : i32
      %cond3A_97 = arith.cmpi ne, %convert_element_type3A_95, %cond3A_96 : i32
      scf.if %cond3A_97 {
        %dma_wait3A_268 = arith.constant 0 : i32
        %dma_wait3A_269 = tpu.memref_slice %arg3[%dma_wait3A_268] : memref<600000xi32, #tpu.memory_space<hbm>> -> memref<160xi32, #tpu.memory_space<hbm>>
        %dma_wait3A_270 = arith.constant 0 : i32
        %dma_wait3A_271 = tpu.memref_slice %arg3[%dma_wait3A_270] : memref<600000xi32, #tpu.memory_space<hbm>> -> memref<160xi32, #tpu.memory_space<hbm>>
        tpu.wait_dma2 semaphore(%arg31 : memref<!tpu.dma_semaphore, #tpu.memory_space<semaphore_mem>>) src(%dma_wait3A_271 : memref<160xi32, #tpu.memory_space<hbm>>) dst(%arg7 : memref<160xi32, #tpu.memory_space<vmem>>)
        %dma_start3A_272 = arith.constant 0 : i32
        %dma_start3A_273 = arith.constant 0 : i32
        %dma_start3A_274 = tpu.memref_slice %arg2[%dma_start3A_272, %dma_start3A_273] : memref<100000x128xf32, #tpu.memory_space<hbm>> -> memref<100000x128xf32, #tpu.memory_space<hbm>>
        tpu.enqueue_indirect_dma source(%dma_start3A_274 : memref<100000x128xf32, #tpu.memory_space<hbm>>) target(%arg13 : memref<160x128xf32, #tpu.memory_space<vmem>>) offsets(%arg7 : memref<160xi32, #tpu.memory_space<vmem>>) semaphore(%arg19 : memref<!tpu.dma_semaphore, #tpu.memory_space<semaphore_mem>>)
      } else {
      }
      %lt3A_98 = arith.constant 3750 : i32
      %lt3A_99 = arith.cmpi slt, %add3A_89, %lt3A_98 : i32
      %convert_element_type3A_100 = arith.extui %lt3A_99 : i1 to i32
      %cond3A_101 = arith.constant 0 : i32
      %cond3A_102 = arith.cmpi ne, %convert_element_type3A_100, %cond3A_101 : i32
      scf.if %cond3A_102 {
        %add3A_268 = arith.constant 4 : i32
        %add3A_269 = arith.addi %add3A_82, %add3A_268 : i32
        %mul3A_270 = arith.constant 32 : i32
        %mul3A_271 = arith.muli %add3A_269, %mul3A_270 : i32
        %add3A_272 = arith.addi %add3A, %mul3A_271 : i32
        %mul3A_273 = arith.constant 160 : i32
        %mul3A_274 = arith.muli %add3A_272, %mul3A_273 : i32
        %dma_start3A_275 = tpu.memref_slice %arg3[%mul3A_274] : memref<600000xi32, #tpu.memory_space<hbm>> -> memref<160xi32, #tpu.memory_space<hbm>>
        %dma_start3A_276 = tpu.memref_slice %arg3[%mul3A_274] : memref<600000xi32, #tpu.memory_space<hbm>> -> memref<160xi32, #tpu.memory_space<hbm>>
        tpu.enqueue_dma source(%dma_start3A_276 : memref<160xi32, #tpu.memory_space<hbm>>) target(%arg9 : memref<160xi32, #tpu.memory_space<vmem>>) target_semaphore(%arg33 : memref<!tpu.dma_semaphore, #tpu.memory_space<semaphore_mem>>)
      } else {
      }
      %lt3A_103 = arith.constant 3750 : i32
      %lt3A_104 = arith.cmpi slt, %add3A_85, %lt3A_103 : i32
      %convert_element_type3A_105 = arith.extui %lt3A_104 : i1 to i32
      %cond3A_106 = arith.constant 0 : i32
      %cond3A_107 = arith.cmpi ne, %convert_element_type3A_105, %cond3A_106 : i32
      scf.if %cond3A_107 {
        %dma_wait3A_268 = arith.constant 0 : i32
        %dma_wait3A_269 = arith.constant 0 : i32
        %dma_wait3A_270 = tpu.memref_slice %arg2[%dma_wait3A_268, %dma_wait3A_269] : memref<100000x128xf32, #tpu.memory_space<hbm>> -> memref<100000x128xf32, #tpu.memory_space<hbm>>
        tpu.wait_indirect_dma semaphore(%arg17 : memref<!tpu.dma_semaphore, #tpu.memory_space<semaphore_mem>>) src(%dma_wait3A_270 : memref<100000x128xf32, #tpu.memory_space<hbm>>) dst(%arg11 : memref<160x128xf32, #tpu.memory_space<vmem>>)
        %mul3A_271 = arith.constant 160 : i32
        %mul3A_272 = arith.muli %add3A_85, %mul3A_271 : i32
        %dma_start3A_273 = arith.constant 0 : i32
        %dma_start3A_274 = tpu.memref_slice %arg4[%mul3A_272, %dma_start3A_273] : memref<600000x128xf32, #tpu.memory_space<hbm>> -> memref<160x128xf32, #tpu.memory_space<hbm>>
        %dma_start3A_275 = arith.constant 0 : i32
        %dma_start3A_276 = tpu.memref_slice %arg4[%mul3A_272, %dma_start3A_275] : memref<600000x128xf32, #tpu.memory_space<hbm>> -> memref<160x128xf32, #tpu.memory_space<hbm>>
        tpu.enqueue_dma source(%arg11 : memref<160x128xf32, #tpu.memory_space<vmem>>) target(%dma_start3A_276 : memref<160x128xf32, #tpu.memory_space<hbm>>) target_semaphore(%arg23 : memref<!tpu.dma_semaphore, #tpu.memory_space<semaphore_mem>>)
      } else {
      }
      %add3A_108 = arith.constant 1 : i32
      %add3A_109 = arith.addi %mul3A_80, %add3A_108 : i32
      %mul3A_110 = arith.constant 32 : i32
      %mul3A_111 = arith.muli %add3A_109, %mul3A_110 : i32
      %add3A_112 = arith.addi %add3A, %mul3A_111 : i32
      %add3A_113 = arith.constant 64 : i32
      %add3A_114 = arith.addi %add3A_112, %add3A_113 : i32
      %add3A_115 = arith.constant 128 : i32
      %add3A_116 = arith.addi %add3A_112, %add3A_115 : i32
      %ge3A_117 = arith.constant 4 : i32
      %ge3A_118 = arith.cmpi sge, %add3A_109, %ge3A_117 : i32
      %lt3A_119 = arith.constant 3750 : i32
      %lt3A_120 = arith.cmpi slt, %add3A_114, %lt3A_119 : i32
      %and3A_121 = arith.andi %ge3A_118, %lt3A_120 : i1
      %convert_element_type3A_122 = arith.extui %and3A_121 : i1 to i32
      %cond3A_123 = arith.constant 0 : i32
      %cond3A_124 = arith.cmpi ne, %convert_element_type3A_122, %cond3A_123 : i32
      scf.if %cond3A_124 {
        %dma_wait3A_268 = arith.constant 0 : i32
        %dma_wait3A_269 = arith.constant 0 : i32
        %dma_wait3A_270 = tpu.memref_slice %arg4[%dma_wait3A_268, %dma_wait3A_269] : memref<600000x128xf32, #tpu.memory_space<hbm>> -> memref<160x128xf32, #tpu.memory_space<hbm>>
        %dma_wait3A_271 = arith.constant 0 : i32
        %dma_wait3A_272 = arith.constant 0 : i32
        %dma_wait3A_273 = tpu.memref_slice %arg4[%dma_wait3A_271, %dma_wait3A_272] : memref<600000x128xf32, #tpu.memory_space<hbm>> -> memref<160x128xf32, #tpu.memory_space<hbm>>
        tpu.wait_dma2 semaphore(%arg26 : memref<!tpu.dma_semaphore, #tpu.memory_space<semaphore_mem>>) src(%arg14 : memref<160x128xf32, #tpu.memory_space<vmem>>) dst(%dma_wait3A_273 : memref<160x128xf32, #tpu.memory_space<hbm>>)
      } else {
      }
      %lt3A_125 = arith.constant 3750 : i32
      %lt3A_126 = arith.cmpi slt, %add3A_114, %lt3A_125 : i32
      %convert_element_type3A_127 = arith.extui %lt3A_126 : i1 to i32
      %cond3A_128 = arith.constant 0 : i32
      %cond3A_129 = arith.cmpi ne, %convert_element_type3A_127, %cond3A_128 : i32
      scf.if %cond3A_129 {
        %dma_wait3A_268 = arith.constant 0 : i32
        %dma_wait3A_269 = tpu.memref_slice %arg3[%dma_wait3A_268] : memref<600000xi32, #tpu.memory_space<hbm>> -> memref<160xi32, #tpu.memory_space<hbm>>
        %dma_wait3A_270 = arith.constant 0 : i32
        %dma_wait3A_271 = tpu.memref_slice %arg3[%dma_wait3A_270] : memref<600000xi32, #tpu.memory_space<hbm>> -> memref<160xi32, #tpu.memory_space<hbm>>
        tpu.wait_dma2 semaphore(%arg32 : memref<!tpu.dma_semaphore, #tpu.memory_space<semaphore_mem>>) src(%dma_wait3A_271 : memref<160xi32, #tpu.memory_space<hbm>>) dst(%arg8 : memref<160xi32, #tpu.memory_space<vmem>>)
        %dma_start3A_272 = arith.constant 0 : i32
        %dma_start3A_273 = arith.constant 0 : i32
        %dma_start3A_274 = tpu.memref_slice %arg2[%dma_start3A_272, %dma_start3A_273] : memref<100000x128xf32, #tpu.memory_space<hbm>> -> memref<100000x128xf32, #tpu.memory_space<hbm>>
        tpu.enqueue_indirect_dma source(%dma_start3A_274 : memref<100000x128xf32, #tpu.memory_space<hbm>>) target(%arg14 : memref<160x128xf32, #tpu.memory_space<vmem>>) offsets(%arg8 : memref<160xi32, #tpu.memory_space<vmem>>) semaphore(%arg20 : memref<!tpu.dma_semaphore, #tpu.memory_space<semaphore_mem>>)
      } else {
      }
      %lt3A_130 = arith.constant 3750 : i32
      %lt3A_131 = arith.cmpi slt, %add3A_116, %lt3A_130 : i32
      %convert_element_type3A_132 = arith.extui %lt3A_131 : i1 to i32
      %cond3A_133 = arith.constant 0 : i32
      %cond3A_134 = arith.cmpi ne, %convert_element_type3A_132, %cond3A_133 : i32
      scf.if %cond3A_134 {
        %add3A_268 = arith.constant 4 : i32
        %add3A_269 = arith.addi %add3A_109, %add3A_268 : i32
        %mul3A_270 = arith.constant 32 : i32
        %mul3A_271 = arith.muli %add3A_269, %mul3A_270 : i32
        %add3A_272 = arith.addi %add3A, %mul3A_271 : i32
        %mul3A_273 = arith.constant 160 : i32
        %mul3A_274 = arith.muli %add3A_272, %mul3A_273 : i32
        %dma_start3A_275 = tpu.memref_slice %arg3[%mul3A_274] : memref<600000xi32, #tpu.memory_space<hbm>> -> memref<160xi32, #tpu.memory_space<hbm>>
        %dma_start3A_276 = tpu.memref_slice %arg3[%mul3A_274] : memref<600000xi32, #tpu.memory_space<hbm>> -> memref<160xi32, #tpu.memory_space<hbm>>
        tpu.enqueue_dma source(%dma_start3A_276 : memref<160xi32, #tpu.memory_space<hbm>>) target(%arg10 : memref<160xi32, #tpu.memory_space<vmem>>) target_semaphore(%arg34 : memref<!tpu.dma_semaphore, #tpu.memory_space<semaphore_mem>>)
      } else {
      }
      %lt3A_135 = arith.constant 3750 : i32
      %lt3A_136 = arith.cmpi slt, %add3A_112, %lt3A_135 : i32
      %convert_element_type3A_137 = arith.extui %lt3A_136 : i1 to i32
      %cond3A_138 = arith.constant 0 : i32
      %cond3A_139 = arith.cmpi ne, %convert_element_type3A_137, %cond3A_138 : i32
      scf.if %cond3A_139 {
        %dma_wait3A_268 = arith.constant 0 : i32
        %dma_wait3A_269 = arith.constant 0 : i32
        %dma_wait3A_270 = tpu.memref_slice %arg2[%dma_wait3A_268, %dma_wait3A_269] : memref<100000x128xf32, #tpu.memory_space<hbm>> -> memref<100000x128xf32, #tpu.memory_space<hbm>>
        tpu.wait_indirect_dma semaphore(%arg18 : memref<!tpu.dma_semaphore, #tpu.memory_space<semaphore_mem>>) src(%dma_wait3A_270 : memref<100000x128xf32, #tpu.memory_space<hbm>>) dst(%arg12 : memref<160x128xf32, #tpu.memory_space<vmem>>)
        %mul3A_271 = arith.constant 160 : i32
        %mul3A_272 = arith.muli %add3A_112, %mul3A_271 : i32
        %dma_start3A_273 = arith.constant 0 : i32
        %dma_start3A_274 = tpu.memref_slice %arg4[%mul3A_272, %dma_start3A_273] : memref<600000x128xf32, #tpu.memory_space<hbm>> -> memref<160x128xf32, #tpu.memory_space<hbm>>
        %dma_start3A_275 = arith.constant 0 : i32
        %dma_start3A_276 = tpu.memref_slice %arg4[%mul3A_272, %dma_start3A_275] : memref<600000x128xf32, #tpu.memory_space<hbm>> -> memref<160x128xf32, #tpu.memory_space<hbm>>
        tpu.enqueue_dma source(%arg12 : memref<160x128xf32, #tpu.memory_space<vmem>>) target(%dma_start3A_276 : memref<160x128xf32, #tpu.memory_space<hbm>>) target_semaphore(%arg24 : memref<!tpu.dma_semaphore, #tpu.memory_space<semaphore_mem>>)
      } else {
      }
      %add3A_140 = arith.constant 2 : i32
      %add3A_141 = arith.addi %mul3A_80, %add3A_140 : i32
      %mul3A_142 = arith.constant 32 : i32
      %mul3A_143 = arith.muli %add3A_141, %mul3A_142 : i32
      %add3A_144 = arith.addi %add3A, %mul3A_143 : i32
      %add3A_145 = arith.constant 64 : i32
      %add3A_146 = arith.addi %add3A_144, %add3A_145 : i32
      %add3A_147 = arith.constant 128 : i32
      %add3A_148 = arith.addi %add3A_144, %add3A_147 : i32
      %ge3A_149 = arith.constant 4 : i32
      %ge3A_150 = arith.cmpi sge, %add3A_141, %ge3A_149 : i32
      %lt3A_151 = arith.constant 3750 : i32
      %lt3A_152 = arith.cmpi slt, %add3A_146, %lt3A_151 : i32
      %and3A_153 = arith.andi %ge3A_150, %lt3A_152 : i1
      %convert_element_type3A_154 = arith.extui %and3A_153 : i1 to i32
      %cond3A_155 = arith.constant 0 : i32
      %cond3A_156 = arith.cmpi ne, %convert_element_type3A_154, %cond3A_155 : i32
      scf.if %cond3A_156 {
        %dma_wait3A_268 = arith.constant 0 : i32
        %dma_wait3A_269 = arith.constant 0 : i32
        %dma_wait3A_270 = tpu.memref_slice %arg4[%dma_wait3A_268, %dma_wait3A_269] : memref<600000x128xf32, #tpu.memory_space<hbm>> -> memref<160x128xf32, #tpu.memory_space<hbm>>
        %dma_wait3A_271 = arith.constant 0 : i32
        %dma_wait3A_272 = arith.constant 0 : i32
        %dma_wait3A_273 = tpu.memref_slice %arg4[%dma_wait3A_271, %dma_wait3A_272] : memref<600000x128xf32, #tpu.memory_space<hbm>> -> memref<160x128xf32, #tpu.memory_space<hbm>>
        tpu.wait_dma2 semaphore(%arg27 : memref<!tpu.dma_semaphore, #tpu.memory_space<semaphore_mem>>) src(%arg15 : memref<160x128xf32, #tpu.memory_space<vmem>>) dst(%dma_wait3A_273 : memref<160x128xf32, #tpu.memory_space<hbm>>)
      } else {
      }
      %lt3A_157 = arith.constant 3750 : i32
      %lt3A_158 = arith.cmpi slt, %add3A_146, %lt3A_157 : i32
      %convert_element_type3A_159 = arith.extui %lt3A_158 : i1 to i32
      %cond3A_160 = arith.constant 0 : i32
      %cond3A_161 = arith.cmpi ne, %convert_element_type3A_159, %cond3A_160 : i32
      scf.if %cond3A_161 {
        %dma_wait3A_268 = arith.constant 0 : i32
        %dma_wait3A_269 = tpu.memref_slice %arg3[%dma_wait3A_268] : memref<600000xi32, #tpu.memory_space<hbm>> -> memref<160xi32, #tpu.memory_space<hbm>>
        %dma_wait3A_270 = arith.constant 0 : i32
        %dma_wait3A_271 = tpu.memref_slice %arg3[%dma_wait3A_270] : memref<600000xi32, #tpu.memory_space<hbm>> -> memref<160xi32, #tpu.memory_space<hbm>>
        tpu.wait_dma2 semaphore(%arg33 : memref<!tpu.dma_semaphore, #tpu.memory_space<semaphore_mem>>) src(%dma_wait3A_271 : memref<160xi32, #tpu.memory_space<hbm>>) dst(%arg9 : memref<160xi32, #tpu.memory_space<vmem>>)
        %dma_start3A_272 = arith.constant 0 : i32
        %dma_start3A_273 = arith.constant 0 : i32
        %dma_start3A_274 = tpu.memref_slice %arg2[%dma_start3A_272, %dma_start3A_273] : memref<100000x128xf32, #tpu.memory_space<hbm>> -> memref<100000x128xf32, #tpu.memory_space<hbm>>
        tpu.enqueue_indirect_dma source(%dma_start3A_274 : memref<100000x128xf32, #tpu.memory_space<hbm>>) target(%arg15 : memref<160x128xf32, #tpu.memory_space<vmem>>) offsets(%arg9 : memref<160xi32, #tpu.memory_space<vmem>>) semaphore(%arg21 : memref<!tpu.dma_semaphore, #tpu.memory_space<semaphore_mem>>)
      } else {
      }
      %lt3A_162 = arith.constant 3750 : i32
      %lt3A_163 = arith.cmpi slt, %add3A_148, %lt3A_162 : i32
      %convert_element_type3A_164 = arith.extui %lt3A_163 : i1 to i32
      %cond3A_165 = arith.constant 0 : i32
      %cond3A_166 = arith.cmpi ne, %convert_element_type3A_164, %cond3A_165 : i32
      scf.if %cond3A_166 {
        %add3A_268 = arith.constant 4 : i32
        %add3A_269 = arith.addi %add3A_141, %add3A_268 : i32
        %mul3A_270 = arith.constant 32 : i32
        %mul3A_271 = arith.muli %add3A_269, %mul3A_270 : i32
        %add3A_272 = arith.addi %add3A, %mul3A_271 : i32
        %mul3A_273 = arith.constant 160 : i32
        %mul3A_274 = arith.muli %add3A_272, %mul3A_273 : i32
        %dma_start3A_275 = tpu.memref_slice %arg3[%mul3A_274] : memref<600000xi32, #tpu.memory_space<hbm>> -> memref<160xi32, #tpu.memory_space<hbm>>
        %dma_start3A_276 = tpu.memref_slice %arg3[%mul3A_274] : memref<600000xi32, #tpu.memory_space<hbm>> -> memref<160xi32, #tpu.memory_space<hbm>>
        tpu.enqueue_dma source(%dma_start3A_276 : memref<160xi32, #tpu.memory_space<hbm>>) target(%arg5 : memref<160xi32, #tpu.memory_space<vmem>>) target_semaphore(%arg29 : memref<!tpu.dma_semaphore, #tpu.memory_space<semaphore_mem>>)
      } else {
      }
      %lt3A_167 = arith.constant 3750 : i32
      %lt3A_168 = arith.cmpi slt, %add3A_144, %lt3A_167 : i32
      %convert_element_type3A_169 = arith.extui %lt3A_168 : i1 to i32
      %cond3A_170 = arith.constant 0 : i32
      %cond3A_171 = arith.cmpi ne, %convert_element_type3A_169, %cond3A_170 : i32
      scf.if %cond3A_171 {
        %dma_wait3A_268 = arith.constant 0 : i32
        %dma_wait3A_269 = arith.constant 0 : i32
        %dma_wait3A_270 = tpu.memref_slice %arg2[%dma_wait3A_268, %dma_wait3A_269] : memref<100000x128xf32, #tpu.memory_space<hbm>> -> memref<100000x128xf32, #tpu.memory_space<hbm>>
        tpu.wait_indirect_dma semaphore(%arg19 : memref<!tpu.dma_semaphore, #tpu.memory_space<semaphore_mem>>) src(%dma_wait3A_270 : memref<100000x128xf32, #tpu.memory_space<hbm>>) dst(%arg13 : memref<160x128xf32, #tpu.memory_space<vmem>>)
        %mul3A_271 = arith.constant 160 : i32
        %mul3A_272 = arith.muli %add3A_144, %mul3A_271 : i32
        %dma_start3A_273 = arith.constant 0 : i32
        %dma_start3A_274 = tpu.memref_slice %arg4[%mul3A_272, %dma_start3A_273] : memref<600000x128xf32, #tpu.memory_space<hbm>> -> memref<160x128xf32, #tpu.memory_space<hbm>>
        %dma_start3A_275 = arith.constant 0 : i32
        %dma_start3A_276 = tpu.memref_slice %arg4[%mul3A_272, %dma_start3A_275] : memref<600000x128xf32, #tpu.memory_space<hbm>> -> memref<160x128xf32, #tpu.memory_space<hbm>>
        tpu.enqueue_dma source(%arg13 : memref<160x128xf32, #tpu.memory_space<vmem>>) target(%dma_start3A_276 : memref<160x128xf32, #tpu.memory_space<hbm>>) target_semaphore(%arg25 : memref<!tpu.dma_semaphore, #tpu.memory_space<semaphore_mem>>)
      } else {
      }
      %add3A_172 = arith.constant 3 : i32
      %add3A_173 = arith.addi %mul3A_80, %add3A_172 : i32
      %mul3A_174 = arith.constant 32 : i32
      %mul3A_175 = arith.muli %add3A_173, %mul3A_174 : i32
      %add3A_176 = arith.addi %add3A, %mul3A_175 : i32
      %add3A_177 = arith.constant 64 : i32
      %add3A_178 = arith.addi %add3A_176, %add3A_177 : i32
      %add3A_179 = arith.constant 128 : i32
      %add3A_180 = arith.addi %add3A_176, %add3A_179 : i32
      %ge3A_181 = arith.constant 4 : i32
      %ge3A_182 = arith.cmpi sge, %add3A_173, %ge3A_181 : i32
      %lt3A_183 = arith.constant 3750 : i32
      %lt3A_184 = arith.cmpi slt, %add3A_178, %lt3A_183 : i32
      %and3A_185 = arith.andi %ge3A_182, %lt3A_184 : i1
      %convert_element_type3A_186 = arith.extui %and3A_185 : i1 to i32
      %cond3A_187 = arith.constant 0 : i32
      %cond3A_188 = arith.cmpi ne, %convert_element_type3A_186, %cond3A_187 : i32
      scf.if %cond3A_188 {
        %dma_wait3A_268 = arith.constant 0 : i32
        %dma_wait3A_269 = arith.constant 0 : i32
        %dma_wait3A_270 = tpu.memref_slice %arg4[%dma_wait3A_268, %dma_wait3A_269] : memref<600000x128xf32, #tpu.memory_space<hbm>> -> memref<160x128xf32, #tpu.memory_space<hbm>>
        %dma_wait3A_271 = arith.constant 0 : i32
        %dma_wait3A_272 = arith.constant 0 : i32
        %dma_wait3A_273 = tpu.memref_slice %arg4[%dma_wait3A_271, %dma_wait3A_272] : memref<600000x128xf32, #tpu.memory_space<hbm>> -> memref<160x128xf32, #tpu.memory_space<hbm>>
        tpu.wait_dma2 semaphore(%arg28 : memref<!tpu.dma_semaphore, #tpu.memory_space<semaphore_mem>>) src(%arg16 : memref<160x128xf32, #tpu.memory_space<vmem>>) dst(%dma_wait3A_273 : memref<160x128xf32, #tpu.memory_space<hbm>>)
      } else {
      }
      %lt3A_189 = arith.constant 3750 : i32
      %lt3A_190 = arith.cmpi slt, %add3A_178, %lt3A_189 : i32
      %convert_element_type3A_191 = arith.extui %lt3A_190 : i1 to i32
      %cond3A_192 = arith.constant 0 : i32
      %cond3A_193 = arith.cmpi ne, %convert_element_type3A_191, %cond3A_192 : i32
      scf.if %cond3A_193 {
        %dma_wait3A_268 = arith.constant 0 : i32
        %dma_wait3A_269 = tpu.memref_slice %arg3[%dma_wait3A_268] : memref<600000xi32, #tpu.memory_space<hbm>> -> memref<160xi32, #tpu.memory_space<hbm>>
        %dma_wait3A_270 = arith.constant 0 : i32
        %dma_wait3A_271 = tpu.memref_slice %arg3[%dma_wait3A_270] : memref<600000xi32, #tpu.memory_space<hbm>> -> memref<160xi32, #tpu.memory_space<hbm>>
        tpu.wait_dma2 semaphore(%arg34 : memref<!tpu.dma_semaphore, #tpu.memory_space<semaphore_mem>>) src(%dma_wait3A_271 : memref<160xi32, #tpu.memory_space<hbm>>) dst(%arg10 : memref<160xi32, #tpu.memory_space<vmem>>)
        %dma_start3A_272 = arith.constant 0 : i32
        %dma_start3A_273 = arith.constant 0 : i32
        %dma_start3A_274 = tpu.memref_slice %arg2[%dma_start3A_272, %dma_start3A_273] : memref<100000x128xf32, #tpu.memory_space<hbm>> -> memref<100000x128xf32, #tpu.memory_space<hbm>>
        tpu.enqueue_indirect_dma source(%dma_start3A_274 : memref<100000x128xf32, #tpu.memory_space<hbm>>) target(%arg16 : memref<160x128xf32, #tpu.memory_space<vmem>>) offsets(%arg10 : memref<160xi32, #tpu.memory_space<vmem>>) semaphore(%arg22 : memref<!tpu.dma_semaphore, #tpu.memory_space<semaphore_mem>>)
      } else {
      }
      %lt3A_194 = arith.constant 3750 : i32
      %lt3A_195 = arith.cmpi slt, %add3A_180, %lt3A_194 : i32
      %convert_element_type3A_196 = arith.extui %lt3A_195 : i1 to i32
      %cond3A_197 = arith.constant 0 : i32
      %cond3A_198 = arith.cmpi ne, %convert_element_type3A_196, %cond3A_197 : i32
      scf.if %cond3A_198 {
        %add3A_268 = arith.constant 4 : i32
        %add3A_269 = arith.addi %add3A_173, %add3A_268 : i32
        %mul3A_270 = arith.constant 32 : i32
        %mul3A_271 = arith.muli %add3A_269, %mul3A_270 : i32
        %add3A_272 = arith.addi %add3A, %mul3A_271 : i32
        %mul3A_273 = arith.constant 160 : i32
        %mul3A_274 = arith.muli %add3A_272, %mul3A_273 : i32
        %dma_start3A_275 = tpu.memref_slice %arg3[%mul3A_274] : memref<600000xi32, #tpu.memory_space<hbm>> -> memref<160xi32, #tpu.memory_space<hbm>>
        %dma_start3A_276 = tpu.memref_slice %arg3[%mul3A_274] : memref<600000xi32, #tpu.memory_space<hbm>> -> memref<160xi32, #tpu.memory_space<hbm>>
        tpu.enqueue_dma source(%dma_start3A_276 : memref<160xi32, #tpu.memory_space<hbm>>) target(%arg6 : memref<160xi32, #tpu.memory_space<vmem>>) target_semaphore(%arg30 : memref<!tpu.dma_semaphore, #tpu.memory_space<semaphore_mem>>)
      } else {
      }
      %lt3A_199 = arith.constant 3750 : i32
      %lt3A_200 = arith.cmpi slt, %add3A_176, %lt3A_199 : i32
      %convert_element_type3A_201 = arith.extui %lt3A_200 : i1 to i32
      %cond3A_202 = arith.constant 0 : i32
      %cond3A_203 = arith.cmpi ne, %convert_element_type3A_201, %cond3A_202 : i32
      scf.if %cond3A_203 {
        %dma_wait3A_268 = arith.constant 0 : i32
        %dma_wait3A_269 = arith.constant 0 : i32
        %dma_wait3A_270 = tpu.memref_slice %arg2[%dma_wait3A_268, %dma_wait3A_269] : memref<100000x128xf32, #tpu.memory_space<hbm>> -> memref<100000x128xf32, #tpu.memory_space<hbm>>
        tpu.wait_indirect_dma semaphore(%arg20 : memref<!tpu.dma_semaphore, #tpu.memory_space<semaphore_mem>>) src(%dma_wait3A_270 : memref<100000x128xf32, #tpu.memory_space<hbm>>) dst(%arg14 : memref<160x128xf32, #tpu.memory_space<vmem>>)
        %mul3A_271 = arith.constant 160 : i32
        %mul3A_272 = arith.muli %add3A_176, %mul3A_271 : i32
        %dma_start3A_273 = arith.constant 0 : i32
        %dma_start3A_274 = tpu.memref_slice %arg4[%mul3A_272, %dma_start3A_273] : memref<600000x128xf32, #tpu.memory_space<hbm>> -> memref<160x128xf32, #tpu.memory_space<hbm>>
        %dma_start3A_275 = arith.constant 0 : i32
        %dma_start3A_276 = tpu.memref_slice %arg4[%mul3A_272, %dma_start3A_275] : memref<600000x128xf32, #tpu.memory_space<hbm>> -> memref<160x128xf32, #tpu.memory_space<hbm>>
        tpu.enqueue_dma source(%arg14 : memref<160x128xf32, #tpu.memory_space<vmem>>) target(%dma_start3A_276 : memref<160x128xf32, #tpu.memory_space<hbm>>) target_semaphore(%arg26 : memref<!tpu.dma_semaphore, #tpu.memory_space<semaphore_mem>>)
      } else {
      }
      %add3A_204 = arith.constant 4 : i32
      %add3A_205 = arith.addi %mul3A_80, %add3A_204 : i32
      %mul3A_206 = arith.constant 32 : i32
      %mul3A_207 = arith.muli %add3A_205, %mul3A_206 : i32
      %add3A_208 = arith.addi %add3A, %mul3A_207 : i32
      %add3A_209 = arith.constant 64 : i32
      %add3A_210 = arith.addi %add3A_208, %add3A_209 : i32
      %add3A_211 = arith.constant 128 : i32
      %add3A_212 = arith.addi %add3A_208, %add3A_211 : i32
      %ge3A_213 = arith.constant 4 : i32
      %ge3A_214 = arith.cmpi sge, %add3A_205, %ge3A_213 : i32
      %lt3A_215 = arith.constant 3750 : i32
      %lt3A_216 = arith.cmpi slt, %add3A_210, %lt3A_215 : i32
      %and3A_217 = arith.andi %ge3A_214, %lt3A_216 : i1
      %convert_element_type3A_218 = arith.extui %and3A_217 : i1 to i32
      %cond3A_219 = arith.constant 0 : i32
      %cond3A_220 = arith.cmpi ne, %convert_element_type3A_218, %cond3A_219 : i32
      scf.if %cond3A_220 {
        %dma_wait3A_268 = arith.constant 0 : i32
        %dma_wait3A_269 = arith.constant 0 : i32
        %dma_wait3A_270 = tpu.memref_slice %arg4[%dma_wait3A_268, %dma_wait3A_269] : memref<600000x128xf32, #tpu.memory_space<hbm>> -> memref<160x128xf32, #tpu.memory_space<hbm>>
        %dma_wait3A_271 = arith.constant 0 : i32
        %dma_wait3A_272 = arith.constant 0 : i32
        %dma_wait3A_273 = tpu.memref_slice %arg4[%dma_wait3A_271, %dma_wait3A_272] : memref<600000x128xf32, #tpu.memory_space<hbm>> -> memref<160x128xf32, #tpu.memory_space<hbm>>
        tpu.wait_dma2 semaphore(%arg23 : memref<!tpu.dma_semaphore, #tpu.memory_space<semaphore_mem>>) src(%arg11 : memref<160x128xf32, #tpu.memory_space<vmem>>) dst(%dma_wait3A_273 : memref<160x128xf32, #tpu.memory_space<hbm>>)
      } else {
      }
      %lt3A_221 = arith.constant 3750 : i32
      %lt3A_222 = arith.cmpi slt, %add3A_210, %lt3A_221 : i32
      %convert_element_type3A_223 = arith.extui %lt3A_222 : i1 to i32
      %cond3A_224 = arith.constant 0 : i32
      %cond3A_225 = arith.cmpi ne, %convert_element_type3A_223, %cond3A_224 : i32
      scf.if %cond3A_225 {
        %dma_wait3A_268 = arith.constant 0 : i32
        %dma_wait3A_269 = tpu.memref_slice %arg3[%dma_wait3A_268] : memref<600000xi32, #tpu.memory_space<hbm>> -> memref<160xi32, #tpu.memory_space<hbm>>
        %dma_wait3A_270 = arith.constant 0 : i32
        %dma_wait3A_271 = tpu.memref_slice %arg3[%dma_wait3A_270] : memref<600000xi32, #tpu.memory_space<hbm>> -> memref<160xi32, #tpu.memory_space<hbm>>
        tpu.wait_dma2 semaphore(%arg29 : memref<!tpu.dma_semaphore, #tpu.memory_space<semaphore_mem>>) src(%dma_wait3A_271 : memref<160xi32, #tpu.memory_space<hbm>>) dst(%arg5 : memref<160xi32, #tpu.memory_space<vmem>>)
        %dma_start3A_272 = arith.constant 0 : i32
        %dma_start3A_273 = arith.constant 0 : i32
        %dma_start3A_274 = tpu.memref_slice %arg2[%dma_start3A_272, %dma_start3A_273] : memref<100000x128xf32, #tpu.memory_space<hbm>> -> memref<100000x128xf32, #tpu.memory_space<hbm>>
        tpu.enqueue_indirect_dma source(%dma_start3A_274 : memref<100000x128xf32, #tpu.memory_space<hbm>>) target(%arg11 : memref<160x128xf32, #tpu.memory_space<vmem>>) offsets(%arg5 : memref<160xi32, #tpu.memory_space<vmem>>) semaphore(%arg17 : memref<!tpu.dma_semaphore, #tpu.memory_space<semaphore_mem>>)
      } else {
      }
      %lt3A_226 = arith.constant 3750 : i32
      %lt3A_227 = arith.cmpi slt, %add3A_212, %lt3A_226 : i32
      %convert_element_type3A_228 = arith.extui %lt3A_227 : i1 to i32
      %cond3A_229 = arith.constant 0 : i32
      %cond3A_230 = arith.cmpi ne, %convert_element_type3A_228, %cond3A_229 : i32
      scf.if %cond3A_230 {
        %add3A_268 = arith.constant 4 : i32
        %add3A_269 = arith.addi %add3A_205, %add3A_268 : i32
        %mul3A_270 = arith.constant 32 : i32
        %mul3A_271 = arith.muli %add3A_269, %mul3A_270 : i32
        %add3A_272 = arith.addi %add3A, %mul3A_271 : i32
        %mul3A_273 = arith.constant 160 : i32
        %mul3A_274 = arith.muli %add3A_272, %mul3A_273 : i32
        %dma_start3A_275 = tpu.memref_slice %arg3[%mul3A_274] : memref<600000xi32, #tpu.memory_space<hbm>> -> memref<160xi32, #tpu.memory_space<hbm>>
        %dma_start3A_276 = tpu.memref_slice %arg3[%mul3A_274] : memref<600000xi32, #tpu.memory_space<hbm>> -> memref<160xi32, #tpu.memory_space<hbm>>
        tpu.enqueue_dma source(%dma_start3A_276 : memref<160xi32, #tpu.memory_space<hbm>>) target(%arg7 : memref<160xi32, #tpu.memory_space<vmem>>) target_semaphore(%arg31 : memref<!tpu.dma_semaphore, #tpu.memory_space<semaphore_mem>>)
      } else {
      }
      %lt3A_231 = arith.constant 3750 : i32
      %lt3A_232 = arith.cmpi slt, %add3A_208, %lt3A_231 : i32
      %convert_element_type3A_233 = arith.extui %lt3A_232 : i1 to i32
      %cond3A_234 = arith.constant 0 : i32
      %cond3A_235 = arith.cmpi ne, %convert_element_type3A_233, %cond3A_234 : i32
      scf.if %cond3A_235 {
        %dma_wait3A_268 = arith.constant 0 : i32
        %dma_wait3A_269 = arith.constant 0 : i32
        %dma_wait3A_270 = tpu.memref_slice %arg2[%dma_wait3A_268, %dma_wait3A_269] : memref<100000x128xf32, #tpu.memory_space<hbm>> -> memref<100000x128xf32, #tpu.memory_space<hbm>>
        tpu.wait_indirect_dma semaphore(%arg21 : memref<!tpu.dma_semaphore, #tpu.memory_space<semaphore_mem>>) src(%dma_wait3A_270 : memref<100000x128xf32, #tpu.memory_space<hbm>>) dst(%arg15 : memref<160x128xf32, #tpu.memory_space<vmem>>)
        %mul3A_271 = arith.constant 160 : i32
        %mul3A_272 = arith.muli %add3A_208, %mul3A_271 : i32
        %dma_start3A_273 = arith.constant 0 : i32
        %dma_start3A_274 = tpu.memref_slice %arg4[%mul3A_272, %dma_start3A_273] : memref<600000x128xf32, #tpu.memory_space<hbm>> -> memref<160x128xf32, #tpu.memory_space<hbm>>
        %dma_start3A_275 = arith.constant 0 : i32
        %dma_start3A_276 = tpu.memref_slice %arg4[%mul3A_272, %dma_start3A_275] : memref<600000x128xf32, #tpu.memory_space<hbm>> -> memref<160x128xf32, #tpu.memory_space<hbm>>
        tpu.enqueue_dma source(%arg15 : memref<160x128xf32, #tpu.memory_space<vmem>>) target(%dma_start3A_276 : memref<160x128xf32, #tpu.memory_space<hbm>>) target_semaphore(%arg27 : memref<!tpu.dma_semaphore, #tpu.memory_space<semaphore_mem>>)
      } else {
      }
      %add3A_236 = arith.constant 5 : i32
      %add3A_237 = arith.addi %mul3A_80, %add3A_236 : i32
      %mul3A_238 = arith.constant 32 : i32
      %mul3A_239 = arith.muli %add3A_237, %mul3A_238 : i32
      %add3A_240 = arith.addi %add3A, %mul3A_239 : i32
      %add3A_241 = arith.constant 64 : i32
      %add3A_242 = arith.addi %add3A_240, %add3A_241 : i32
      %add3A_243 = arith.constant 128 : i32
      %add3A_244 = arith.addi %add3A_240, %add3A_243 : i32
      %ge3A_245 = arith.constant 4 : i32
      %ge3A_246 = arith.cmpi sge, %add3A_237, %ge3A_245 : i32
      %lt3A_247 = arith.constant 3750 : i32
      %lt3A_248 = arith.cmpi slt, %add3A_242, %lt3A_247 : i32
      %and3A_249 = arith.andi %ge3A_246, %lt3A_248 : i1
      %convert_element_type3A_250 = arith.extui %and3A_249 : i1 to i32
      %cond3A_251 = arith.constant 0 : i32
      %cond3A_252 = arith.cmpi ne, %convert_element_type3A_250, %cond3A_251 : i32
      scf.if %cond3A_252 {
        %dma_wait3A_268 = arith.constant 0 : i32
        %dma_wait3A_269 = arith.constant 0 : i32
        %dma_wait3A_270 = tpu.memref_slice %arg4[%dma_wait3A_268, %dma_wait3A_269] : memref<600000x128xf32, #tpu.memory_space<hbm>> -> memref<160x128xf32, #tpu.memory_space<hbm>>
        %dma_wait3A_271 = arith.constant 0 : i32
        %dma_wait3A_272 = arith.constant 0 : i32
        %dma_wait3A_273 = tpu.memref_slice %arg4[%dma_wait3A_271, %dma_wait3A_272] : memref<600000x128xf32, #tpu.memory_space<hbm>> -> memref<160x128xf32, #tpu.memory_space<hbm>>
        tpu.wait_dma2 semaphore(%arg24 : memref<!tpu.dma_semaphore, #tpu.memory_space<semaphore_mem>>) src(%arg12 : memref<160x128xf32, #tpu.memory_space<vmem>>) dst(%dma_wait3A_273 : memref<160x128xf32, #tpu.memory_space<hbm>>)
      } else {
      }
      %lt3A_253 = arith.constant 3750 : i32
      %lt3A_254 = arith.cmpi slt, %add3A_242, %lt3A_253 : i32
      %convert_element_type3A_255 = arith.extui %lt3A_254 : i1 to i32
      %cond3A_256 = arith.constant 0 : i32
      %cond3A_257 = arith.cmpi ne, %convert_element_type3A_255, %cond3A_256 : i32
      scf.if %cond3A_257 {
        %dma_wait3A_268 = arith.constant 0 : i32
        %dma_wait3A_269 = tpu.memref_slice %arg3[%dma_wait3A_268] : memref<600000xi32, #tpu.memory_space<hbm>> -> memref<160xi32, #tpu.memory_space<hbm>>
        %dma_wait3A_270 = arith.constant 0 : i32
        %dma_wait3A_271 = tpu.memref_slice %arg3[%dma_wait3A_270] : memref<600000xi32, #tpu.memory_space<hbm>> -> memref<160xi32, #tpu.memory_space<hbm>>
        tpu.wait_dma2 semaphore(%arg30 : memref<!tpu.dma_semaphore, #tpu.memory_space<semaphore_mem>>) src(%dma_wait3A_271 : memref<160xi32, #tpu.memory_space<hbm>>) dst(%arg6 : memref<160xi32, #tpu.memory_space<vmem>>)
        %dma_start3A_272 = arith.constant 0 : i32
        %dma_start3A_273 = arith.constant 0 : i32
        %dma_start3A_274 = tpu.memref_slice %arg2[%dma_start3A_272, %dma_start3A_273] : memref<100000x128xf32, #tpu.memory_space<hbm>> -> memref<100000x128xf32, #tpu.memory_space<hbm>>
        tpu.enqueue_indirect_dma source(%dma_start3A_274 : memref<100000x128xf32, #tpu.memory_space<hbm>>) target(%arg12 : memref<160x128xf32, #tpu.memory_space<vmem>>) offsets(%arg6 : memref<160xi32, #tpu.memory_space<vmem>>) semaphore(%arg18 : memref<!tpu.dma_semaphore, #tpu.memory_space<semaphore_mem>>)
      } else {
      }
      %lt3A_258 = arith.constant 3750 : i32
      %lt3A_259 = arith.cmpi slt, %add3A_244, %lt3A_258 : i32
      %convert_element_type3A_260 = arith.extui %lt3A_259 : i1 to i32
      %cond3A_261 = arith.constant 0 : i32
      %cond3A_262 = arith.cmpi ne, %convert_element_type3A_260, %cond3A_261 : i32
      scf.if %cond3A_262 {
        %add3A_268 = arith.constant 4 : i32
        %add3A_269 = arith.addi %add3A_237, %add3A_268 : i32
        %mul3A_270 = arith.constant 32 : i32
        %mul3A_271 = arith.muli %add3A_269, %mul3A_270 : i32
        %add3A_272 = arith.addi %add3A, %mul3A_271 : i32
        %mul3A_273 = arith.constant 160 : i32
        %mul3A_274 = arith.muli %add3A_272, %mul3A_273 : i32
        %dma_start3A_275 = tpu.memref_slice %arg3[%mul3A_274] : memref<600000xi32, #tpu.memory_space<hbm>> -> memref<160xi32, #tpu.memory_space<hbm>>
        %dma_start3A_276 = tpu.memref_slice %arg3[%mul3A_274] : memref<600000xi32, #tpu.memory_space<hbm>> -> memref<160xi32, #tpu.memory_space<hbm>>
        tpu.enqueue_dma source(%dma_start3A_276 : memref<160xi32, #tpu.memory_space<hbm>>) target(%arg8 : memref<160xi32, #tpu.memory_space<vmem>>) target_semaphore(%arg32 : memref<!tpu.dma_semaphore, #tpu.memory_space<semaphore_mem>>)
      } else {
      }
      %lt3A_263 = arith.constant 3750 : i32
      %lt3A_264 = arith.cmpi slt, %add3A_240, %lt3A_263 : i32
      %convert_element_type3A_265 = arith.extui %lt3A_264 : i1 to i32
      %cond3A_266 = arith.constant 0 : i32
      %cond3A_267 = arith.cmpi ne, %convert_element_type3A_265, %cond3A_266 : i32
      scf.if %cond3A_267 {
        %dma_wait3A_268 = arith.constant 0 : i32
        %dma_wait3A_269 = arith.constant 0 : i32
        %dma_wait3A_270 = tpu.memref_slice %arg2[%dma_wait3A_268, %dma_wait3A_269] : memref<100000x128xf32, #tpu.memory_space<hbm>> -> memref<100000x128xf32, #tpu.memory_space<hbm>>
        tpu.wait_indirect_dma semaphore(%arg22 : memref<!tpu.dma_semaphore, #tpu.memory_space<semaphore_mem>>) src(%dma_wait3A_270 : memref<100000x128xf32, #tpu.memory_space<hbm>>) dst(%arg16 : memref<160x128xf32, #tpu.memory_space<vmem>>)
        %mul3A_271 = arith.constant 160 : i32
        %mul3A_272 = arith.muli %add3A_240, %mul3A_271 : i32
        %dma_start3A_273 = arith.constant 0 : i32
        %dma_start3A_274 = tpu.memref_slice %arg4[%mul3A_272, %dma_start3A_273] : memref<600000x128xf32, #tpu.memory_space<hbm>> -> memref<160x128xf32, #tpu.memory_space<hbm>>
        %dma_start3A_275 = arith.constant 0 : i32
        %dma_start3A_276 = tpu.memref_slice %arg4[%mul3A_272, %dma_start3A_275] : memref<600000x128xf32, #tpu.memory_space<hbm>> -> memref<160x128xf32, #tpu.memory_space<hbm>>
        tpu.enqueue_dma source(%arg16 : memref<160x128xf32, #tpu.memory_space<vmem>>) target(%dma_start3A_276 : memref<160x128xf32, #tpu.memory_space<hbm>>) target_semaphore(%arg28 : memref<!tpu.dma_semaphore, #tpu.memory_space<semaphore_mem>>)
      } else {
      }
    }
    %scan3A_41 = arith.constant 20 : i32
    %dma_wait3A_42 = arith.constant 0 : i32
    %dma_wait3A_43 = arith.constant 0 : i32
    %dma_wait3A_44 = tpu.memref_slice %arg4[%dma_wait3A_42, %dma_wait3A_43] : memref<600000x128xf32, #tpu.memory_space<hbm>> -> memref<160x128xf32, #tpu.memory_space<hbm>>
    %dma_wait3A_45 = arith.constant 0 : i32
    %dma_wait3A_46 = arith.constant 0 : i32
    %dma_wait3A_47 = tpu.memref_slice %arg4[%dma_wait3A_45, %dma_wait3A_46] : memref<600000x128xf32, #tpu.memory_space<hbm>> -> memref<160x128xf32, #tpu.memory_space<hbm>>
    tpu.wait_dma2 semaphore(%arg23 : memref<!tpu.dma_semaphore, #tpu.memory_space<semaphore_mem>>) src(%arg11 : memref<160x128xf32, #tpu.memory_space<vmem>>) dst(%dma_wait3A_47 : memref<160x128xf32, #tpu.memory_space<hbm>>)
    %dma_wait3A_48 = arith.constant 0 : i32
    %dma_wait3A_49 = arith.constant 0 : i32
    %dma_wait3A_50 = tpu.memref_slice %arg4[%dma_wait3A_48, %dma_wait3A_49] : memref<600000x128xf32, #tpu.memory_space<hbm>> -> memref<160x128xf32, #tpu.memory_space<hbm>>
    %dma_wait3A_51 = arith.constant 0 : i32
    %dma_wait3A_52 = arith.constant 0 : i32
    %dma_wait3A_53 = tpu.memref_slice %arg4[%dma_wait3A_51, %dma_wait3A_52] : memref<600000x128xf32, #tpu.memory_space<hbm>> -> memref<160x128xf32, #tpu.memory_space<hbm>>
    tpu.wait_dma2 semaphore(%arg24 : memref<!tpu.dma_semaphore, #tpu.memory_space<semaphore_mem>>) src(%arg12 : memref<160x128xf32, #tpu.memory_space<vmem>>) dst(%dma_wait3A_53 : memref<160x128xf32, #tpu.memory_space<hbm>>)
    %dma_wait3A_54 = arith.constant 0 : i32
    %dma_wait3A_55 = arith.constant 0 : i32
    %dma_wait3A_56 = tpu.memref_slice %arg4[%dma_wait3A_54, %dma_wait3A_55] : memref<600000x128xf32, #tpu.memory_space<hbm>> -> memref<160x128xf32, #tpu.memory_space<hbm>>
    %dma_wait3A_57 = arith.constant 0 : i32
    %dma_wait3A_58 = arith.constant 0 : i32
    %dma_wait3A_59 = tpu.memref_slice %arg4[%dma_wait3A_57, %dma_wait3A_58] : memref<600000x128xf32, #tpu.memory_space<hbm>> -> memref<160x128xf32, #tpu.memory_space<hbm>>
    tpu.wait_dma2 semaphore(%arg25 : memref<!tpu.dma_semaphore, #tpu.memory_space<semaphore_mem>>) src(%arg13 : memref<160x128xf32, #tpu.memory_space<vmem>>) dst(%dma_wait3A_59 : memref<160x128xf32, #tpu.memory_space<hbm>>)
    %dma_wait3A_60 = arith.constant 0 : i32
    %dma_wait3A_61 = arith.constant 0 : i32
    %dma_wait3A_62 = tpu.memref_slice %arg4[%dma_wait3A_60, %dma_wait3A_61] : memref<600000x128xf32, #tpu.memory_space<hbm>> -> memref<160x128xf32, #tpu.memory_space<hbm>>
    %dma_wait3A_63 = arith.constant 0 : i32
    %dma_wait3A_64 = arith.constant 0 : i32
    %dma_wait3A_65 = tpu.memref_slice %arg4[%dma_wait3A_63, %dma_wait3A_64] : memref<600000x128xf32, #tpu.memory_space<hbm>> -> memref<160x128xf32, #tpu.memory_space<hbm>>
    tpu.wait_dma2 semaphore(%arg26 : memref<!tpu.dma_semaphore, #tpu.memory_space<semaphore_mem>>) src(%arg14 : memref<160x128xf32, #tpu.memory_space<vmem>>) dst(%dma_wait3A_65 : memref<160x128xf32, #tpu.memory_space<hbm>>)
    %dma_wait3A_66 = arith.constant 0 : i32
    %dma_wait3A_67 = arith.constant 0 : i32
    %dma_wait3A_68 = tpu.memref_slice %arg4[%dma_wait3A_66, %dma_wait3A_67] : memref<600000x128xf32, #tpu.memory_space<hbm>> -> memref<160x128xf32, #tpu.memory_space<hbm>>
    %dma_wait3A_69 = arith.constant 0 : i32
    %dma_wait3A_70 = arith.constant 0 : i32
    %dma_wait3A_71 = tpu.memref_slice %arg4[%dma_wait3A_69, %dma_wait3A_70] : memref<600000x128xf32, #tpu.memory_space<hbm>> -> memref<160x128xf32, #tpu.memory_space<hbm>>
    tpu.wait_dma2 semaphore(%arg27 : memref<!tpu.dma_semaphore, #tpu.memory_space<semaphore_mem>>) src(%arg15 : memref<160x128xf32, #tpu.memory_space<vmem>>) dst(%dma_wait3A_71 : memref<160x128xf32, #tpu.memory_space<hbm>>)
    %dma_wait3A_72 = arith.constant 0 : i32
    %dma_wait3A_73 = arith.constant 0 : i32
    %dma_wait3A_74 = tpu.memref_slice %arg4[%dma_wait3A_72, %dma_wait3A_73] : memref<600000x128xf32, #tpu.memory_space<hbm>> -> memref<160x128xf32, #tpu.memory_space<hbm>>
    %dma_wait3A_75 = arith.constant 0 : i32
    %dma_wait3A_76 = arith.constant 0 : i32
    %dma_wait3A_77 = tpu.memref_slice %arg4[%dma_wait3A_75, %dma_wait3A_76] : memref<600000x128xf32, #tpu.memory_space<hbm>> -> memref<160x128xf32, #tpu.memory_space<hbm>>
    tpu.wait_dma2 semaphore(%arg28 : memref<!tpu.dma_semaphore, #tpu.memory_space<semaphore_mem>>) src(%arg16 : memref<160x128xf32, #tpu.memory_space<vmem>>) dst(%dma_wait3A_77 : memref<160x128xf32, #tpu.memory_space<hbm>>)
    return
  }
}

</mosaic_0001>

<sc_bundles>
// kernel: kernel.3.cloned.1.call-start
scs
__scs_entry_jumppad:
0x0: {  	(pc) =	sbr.rel $0x88, $3  }
0x1: {  	(tag) =	ssettag $0x0;
	lr =	simm.s32 $0x1  }
0x2: {  	[smem:$0x3F9F] =	sst lr;
	_ =	strace $0xD0000000  }
0x3: {  	_ = 	snop  }
0x4: {  	_ = 	snop  }
0x5: {  	_ = 	snop  }
0x6: {  	_ = 	snop  }
0x7: {  	_ = 	snop  }
__scs_overlays_trampoline_lowered:
0x8: {  	[smem:$0x3FAE] =	sst s0  }
0x9: {  	[smem:$0x3FAF] =	sst s1  }
0xa: {  	[smem:$0x3FB0] =	sst s2  }
0xb: {  	[smem:$0x3FB1] =	sst s3  }
0xc: {  	[smem:$0x3FB2] =	sst s4  }
0xd: {  	[smem:$0x3FB3] =	sst s5  }
0xe: {  	[smem:$0x3FB4] =	sst s6  }
0xf: {  	[smem:$0x3FB5] =	sst s7  }
0x10: {  	[smem:$0x3FB6] =	sst s8  }
0x11: {  	[smem:$0x3FB7] =	sst s9;
	s0 =	simm.s32 @!p0 $0x0  }
0x12: {  	s1 =	sld [smem:$0x3F9D];
	s0 =	simm.s32 @p0 $0x1  }
0x13: {  	[smem:$0x3FB8] =	sst s0;
	s0 =	simm.s32 @!p1 $0x0  }
0x14: {  	s2 =	sld [smem:$0x3F9C];
	s0 =	simm.s32 @p1 $0x1  }
0x15: {  	[smem:$0x3FB9] =	sst s0;
	s0 =	simm.s32 @!p2 $0x0  }
0x16: {  	s3 =	sld [smem:$0x3FDB];
	s0 =	simm.s32 @p2 $0x1  }
0x17: {  	s4 =	simm.s32 $0x1BF5;
	[smem:$0x3FBB] =	sst s0  }
0x18: {  	s0 =	sld [smem:$0x3F9E];
	_ =	swait.ge [sflag:s4], $0x0  }
0x19: {  	s7 =	sld [smem:$0x3F9F]  }
0x1a: {  	s8 =	sadd.s32 $0xFFFFE003, lr  }
0x1b: {  	s9 =	sadd.s32 $0xFFFFFEF7, lr;
	s5 =	simm.s32 $0xFFFFFFFF;
	p2 =	slt.u32 s8, $0xFFFFF086  }
0x1c: {  	p1 =	slt.u32 s9, $0xF7A;
	s5 =	simm.s32 @!p2 $0x0  }
0x1d: {  	s5 =	simm.s32 @p1 $0x1;
	p0 =	seq.s32 s7, s2  }
0x1e: {  	s7 =	smul.u32 @!p0 $0xF7A, s2;
	p2 =	seq.s32 @!p0 s5, $0x0  }
0x1f: {  	s9 =	smul.u32 $0xF7A, s1;
	s8 =	simm.s32 @!p0 $0x1BF5;
	p2 =	por !p2, p0  }
0x20: {  	[sflag:s8] =	ssyncset.s32 @!p0 $0xFFFFF086;
	s6 =	sadd.s32 @!p0 s3, s7;
	s7 =	simm.s32 @!p0 $0x108  }
0x21: {  	s3 =	sadd.s32 s3, s9;
	s6 =	sadd.s32 @!p0 $0x88, s6;
	s7 =	simm.s32 @p2 $0x1082  }
0x22: {  	[simem:s7], [sflag:s8] =	dma.local @!p0 [hbm:s6], $0xF7A  }
0x23: {  	s9 =	sor.u32 $0xD0000000, s2;
	s6 =	simm.s32 $0x108;
	_ =	swait.ge @!p0 [sflag:s8], $0x0  }
0x24: {  	s3 =	sadd.s32 $0x88, s3;
	s6 =	simm.s32 @!p1 $0x1082;
	[sflag:s4] =	ssyncset.s32 $0xFFFFF086  }
0x25: {  	[simem:s6], [sflag:s4] =	dma.local [hbm:s3], $0xF7A  }
0x26: {  	[smem:$0x3F9F] =	sst s1;
	(tag) =	ssettag s2;
	_ =	strace s9  }
0x27: {  	s1 =	sld [smem:$0x3FAF]  }
0x28: {  	s2 =	sld [smem:$0x3FB0]  }
0x29: {  	s4 =	sld [smem:$0x3FB2]  }
0x2a: {  	p0 =	seq.s32 s5, $0x0;
	s5 =	sld [smem:$0x3FB3]  }
0x2b: {  	s6 =	sld [smem:$0x3FB4]  }
0x2c: {  	s7 =	sld [smem:$0x3FB5]  }
0x2d: {  	s3 =	simm.s32 $0x108;
	s8 =	sld [smem:$0x3FB6]  }
0x2e: {  	s3 =	simm.s32 @!p0 $0x1082;
	s9 =	sld [smem:$0x3FB7]  }
0x2f: {  	lr =	sadd.s32 s0, s3;
	s0 =	sld [smem:$0x3FAE]  }
0x30: {  	s3 =	sld [smem:$0x3FB1]  }
0x31: {  	[smem:$0x3FBA] =	sst s10  }
0x32: {  	s10 =	sld [smem:$0x3FB8];
	_ =	sdelay $0x3  }
0x33: {  	p0 =	seq.s32 s10, $0x1;
	s10 =	sld [smem:$0x3FBA];
	_ =	sdelay $0x3  }
0x34: {  	[smem:$0x3FBA] =	sst s10  }
0x35: {  	s10 =	sld [smem:$0x3FB9];
	_ =	sdelay $0x3  }
0x36: {  	p1 =	seq.s32 s10, $0x1;
	s10 =	sld [smem:$0x3FBA];
	_ =	sdelay $0x3  }
0x37: {  	[smem:$0x3FBA] =	sst s10  }
0x38: {  	s10 =	sld [smem:$0x3FBB]  }
0x39: {  	_ = 	snop;
	(pc) =	sbr.ind lr, $3  }
0x3a: {  	_ = 	snop  }
0x3b: {  	_ = 	snop  }
0x3c: {  	p2 =	seq.s32 s10, $0x1;
	s10 =	sld [smem:$0x3FBA]  }
0x3d: {  	_ =	shalt  }
0x3e: {  	_ =	shalt  }
0x3f: {  	_ =	shalt  }
0x40: {  	_ =	shalt  }
0x41: {  	_ =	shalt  }
0x42: {  	_ =	shalt  }
0x43: {  	_ =	shalt  }
0x44: {  	_ =	shalt  }
0x45: {  	_ =	shalt  }
0x46: {  	_ =	shalt  }
0x47: {  	_ =	shalt  }
0x48: {  	_ =	shalt  }
0x49: {  	_ =	shalt  }
0x4a: {  	_ =	shalt  }
0x4b: {  	_ =	shalt  }
0x4c: {  	_ =	shalt  }
0x4d: {  	_ =	shalt  }
0x4e: {  	_ =	shalt  }
0x4f: {  	_ =	shalt  }
0x50: {  	_ =	shalt  }
0x51: {  	_ =	shalt  }
0x52: {  	_ =	shalt  }
0x53: {  	_ =	shalt  }
0x54: {  	_ =	shalt  }
0x55: {  	_ =	shalt  }
0x56: {  	_ =	shalt  }
0x57: {  	_ =	shalt  }
0x58: {  	_ =	shalt  }
0x59: {  	_ =	shalt  }
0x5a: {  	_ =	shalt  }
0x5b: {  	_ =	shalt  }
0x5c: {  	_ =	shalt  }
0x5d: {  	_ =	shalt  }
0x5e: {  	_ =	shalt  }
0x5f: {  	_ =	shalt  }
0x60: {  	_ =	shalt  }
0x61: {  	_ =	shalt  }
0x62: {  	_ =	shalt  }
0x63: {  	_ =	shalt  }
0x64: {  	_ =	shalt  }
0x65: {  	_ =	shalt  }
0x66: {  	_ =	shalt  }
0x67: {  	_ =	shalt  }
0x68: {  	_ =	shalt  }
0x69: {  	_ =	shalt  }
0x6a: {  	_ =	shalt  }
0x6b: {  	_ =	shalt  }
0x6c: {  	_ =	shalt  }
0x6d: {  	_ =	shalt  }
0x6e: {  	_ =	shalt  }
0x6f: {  	_ =	shalt  }
0x70: {  	_ =	shalt  }
0x71: {  	_ =	shalt  }
0x72: {  	_ =	shalt  }
0x73: {  	_ =	shalt  }
0x74: {  	_ =	shalt  }
0x75: {  	_ =	shalt  }
0x76: {  	_ =	shalt  }
0x77: {  	_ =	shalt  }
0x78: {  	_ =	shalt  }
0x79: {  	_ =	shalt  }
0x7a: {  	_ =	shalt  }
0x7b: {  	_ =	shalt  }
0x7c: {  	_ =	shalt  }
0x7d: {  	_ =	shalt  }
0x7e: {  	_ =	shalt  }
0x7f: {  	_ =	shalt  }
0x80: {  	_ =	shalt  }
0x81: {  	_ =	shalt  }
0x82: {  	_ =	shalt  }
0x83: {  	_ =	shalt  }
0x84: {  	_ =	shalt  }
0x85: {  	_ =	shalt  }
0x86: {  	_ =	shalt  }
0x87: {  	_ =	shalt  }
.Lfunc_end0:
.L_simem_size_0:
called_computation_lowered:
.L_overlay_start_0:
0x88: {  	s2 =	sld [smem:$0x3FD9]  }
0x89: {  	s3 =	sld [smem:$0x3FFE];
	_ =	sdelay $0x1  }
0x8a: {  	s1 =	srdreg.scid  }
0x8b: {  	s0 =	sand.u32 $0x1, s1  }
0x8c: {  	s17 =	sshll.u32 s0, $0xA;
	s2 =	sadd.s32 s3, s2  }
0x8d: {  	s2 =	sadd.s32 s2, s17  }
0x8e: {  	[smem:$0x3FC6] =	sst s2  }
0x8f: {  	_ = 	snop  }
0x90: {  	s2 =	sld [smem:$0x3FC9]  }
0x91: {  	s18 =	sld [smem:$0x3FD0];
	(tm) =	ssettm $0x1  }
0x92: {  	s4 =	sld [smem:$0x3FFB];
	_ =	sdelay $0x3  }
0x93: {  	_ =	strace s4  }
0x94: {  	s4 =	sld [smem:$0x3FFC];
	_ =	sdelay $0x3  }
0x95: {  	_ =	strace s4  }
0x96: {  	s4 =	sld [smem:$0x3FFD];
	_ =	sdelay $0x3  }
0x97: {  	_ =	strace s4  }
0x98: {  	_ =	strace $0x8FFFFFFF  }
0x99: {  	s19 =	sld [smem:$0x3FDB];
	_ =	sdelay $0x1  }
0x9a: {  	s5 =	simm.s32 $_scs_section_size  }
0x9b: {  	s6 =	simm.s32 $_size__tile_overlayer_lowered;
	s7 =	simm.s32 $_tile_overlayer_lowered  }
0x9c: {  	s22 =	simm.s32 $0x1BFF;
	s21 =	sshll.u32 s7, $0x1;
	s4 =	sadd.s32 s5, s19  }
0x9d: {  	s8 =	simm.s32 $0x0;
	s20 =	sshll.u32 s6, $0x1;
	s6 =	sadd.s32 s21, s4  }
0x9e: {  	[timem:s8], [sflag:s22] =	dma.local [hbm:s6], s20  }
0x9f: {  	_ =	swait.ge [sflag:s22], s20  }
0xa0: {  	s5 =	ssub.s32 $0x0, s20;
	[sflag:s22] =	ssyncset.done $0x0  }
0xa1: {  	[sflag:s22] =	ssyncadd.s32 s5;
	_ =	sdelay $0x1  }
0xa2: {  	s23 =	simm.s32 $0x1B8B  }
0xa3: {  	_ =	swait.ge [sflag:s23], $0x1  }
0xa4: {  	[sflag:s23] =	ssyncset.done $0x0  }
0xa5: {  	s25 =	simm.s32 $0x1B8E;
	s24 =	sld [smem:$0x3FFE];
	[sflag:s23] =	ssyncadd.s32 $0xFFFFFFFF  }
0xa6: {  	s26 =	simm.s32 $execute0_lowered;
	[smem:$0x3FD2] =	sst s25  }
0xa7: {  	s6 =	sshll.u32 s26, $0x1;
	_ =	strace $0x80000046;
	[dreg:$0x1] =	wrdreg $0xFFFFFFFF  }
0xa8: {  	s28 =	simm.s32 $_size_execute0_lowered;
	s4 =	sadd.s32 s4, s6;
	[dreg:$0x0] =	wrdreg $0x0  }
0xa9: {  	s6 =	sshll.u32 s28, $0x1;
	[dreg:$0x2] =	wrdreg s4  }
0xaa: {  	[dreg:$0x3] =	wrdreg s6  }
0xab: {  	[dreg:$0x4] =	wrdreg $0xC0  }
0xac: {  	_ =	task [dreg:s8], $0x5FFFF  }
0xad: {  	[dreg:$0x1] =	wrdreg $0xFFFFFFFF  }
0xae: {  	[dreg:$0x0] =	wrdreg $0x60  }
0xaf: {  	[dreg:$0x2] =	wrdreg s2  }
0xb0: {  	[dreg:$0x3] =	wrdreg s24  }
0xb1: {  	[dreg:$0x4] =	wrdreg s18  }
0xb2: {  	[dreg:$0x5] =	wrdreg $0x9  }
0xb3: {  	_ =	task.clear_ibuf [dreg:s8], $0x6FFFF;
	_ =	strace $0x90000046  }
0xb4: {  	s29 =	simm.s32 $0x9;
	_ =	strace $0x80000048  }
0xb5: {  	_ =	swait.ge [sflag:s29], $0x1  }
0xb6: {  	[sflag:s29] =	ssyncadd.s32 $0xFFFFFFFF  }
0xb7: {  	_ =	strace $0x90000048  }
0xb8: {  	_ =	sfence  }
0xb9: {  	s30 =	sld [smem:$0x0];
	_ =	sdelay $0x2  }
0xba: {  	s31 =	sshll.u32 s1, $0xD;
	s1 =	sshrl.u32 s1, $0x2  }
0xbb: {  	s3 =	sand.u32 $0x4000, s31;
	s1 =	sadd.s32 s1, s30  }
0xbc: {  	s0 =	sor.u32 s3, s0;
	s1 =	sshll.u32 s1, $0x11  }
0xbd: {  	s0 =	sor.u32 s1, s0  }
0xbe: {  	s0 =	sadd.s32 $0x8F2B, s0  }
0xbf: {  	[sflag:s0] =	ssyncadd.remote.s32 $0x1  }
0xc0: {  	_ =	sfence.sel $0xFFFF  }
0xc1: {  	[dreg:$0x0] =	wrdreg $0xFFFFFFFF;
	(pc) =	sbr.abs _section_cstart, $3  }
0xc2: {  	[dreg:$0x1] =	wrdreg $0xFFFFFFFF  }
0xc3: {  	_ =	task.clear_ibuf [dreg:s8], $0x2FFFF;
	_ =	strace $0x9FFFFFFF  }
0xc4: {  	(tm) =	ssettm $0x7FFFFFFF  }
0xc5: {  	_ =	shalt  }
tec
execute0_lowered:
.L_overlay_start_1:
0x0: {  	(tag) =	ssettag $0x1  }
0x1: {  	s1 =	rddreg [dreg:$0x0]  }
0x2: {  	s0 =	rddreg [dreg:$0x1];
	s2 =	srdreg.scid  }
0x3: {  	s11 =	stileid.u32;
	s4 =	rddreg [dreg:$0x2]  }
0x4: {  	s3 =	simm.s32 $0x0;
	s13 =	simm.s32 $0xD;
	s14 =	simm.s32 $0xA0  }
0x5: {  	s16 =	simm.s32 $0xE;
	s28 =	simm.s32 $0xB;
	s29 =	simm.s32 $0x11  }
0x6: {  	s31 =	simm.s32 $0x14600;
	s12 =	simm.s32 $0x6;
	s10 =	smul.u32 $0x28, s11  }
0x7: {  	s15 =	simm.s32 $0x0;
	s2 =	sand.u32 $0x1, s2;
	s22 =	smul.u32 $0x1400, s11  }
0x8: {  	s5 =	sshll.u32 s11, $0x1;
	[smem:$0x7FF] =	sst s3;
	s20 =	smul.u32 $0x14, s2  }
0x9: {  	s5 =	sor.u32 s2, s5;
	s7 =	ssub.s32 $0x2, s2;
	s2 =	smul.u32 $0xA00, s2  }
0xa: {  	s0 =	sadd.s32 $0x400, s0;
	s11 =	simm.s32 $0x8;
	s6 =	smul.u32 $0x14, s5  }
0xb: {  	_ =	strace $0x80000047;
	s8 =	smul.u32 $0xA0, s5;
	s9 =	sshrl.u32 s7, $0x1  }
0xc: {  	s4 =	sadd.s32 s22, s4;
	s30 =	sor.u32 $0xA0, s5;
	s22 =	simm.s32 $0x1  }
0xd: {  	s7 =	ssub.s32 s7, s9;
	s26 =	sadd.s32 s2, s4;
	[dreg:$0x9] =	wrdreg s30  }
0xe: {  	s2 =	simm.s32 $0x3;
	s4 =	simm.s32 $0x12;
	s8 =	sshrl.u32 s8, $0x3  }
0xf: {  	s6 =	sadd.s32 s0, s6;
	s25 =	smax.u32 s7, $0x1;
	s7 =	simm.s32 $0x4  }
0x10: {  	[dreg:$0x4] =	wrdreg s6;
	s21 =	sadd.s32 s0, s8;
	s0 =	sadd.s32 s10, s0  }
0x11: {  	[dreg:$0x8] =	wrdreg s25;
	s25 =	simm.s32 $0xF600;
	s8 =	simm.s32 $0x7  }
0x12: {  	s10 =	simm.s32 $0x5;
	s23 =	sadd.s32 $0x280, s21;
	s24 =	sadd.s32 $0x500, s21  }
.Ltmp0:
0x13: {  	s6 =	sadd.s32 $0x780, s21;
	[dreg:$0x5] =	wrdreg s23;
	(pc) =	sbr.rel .LBB2_1-.Ltmp0, $4  }
0x14: {  	s9 =	sadd.s32 s20, s0;
	s0 =	sadd.s32 $0x64000, s26;
	[dreg:$0x6] =	wrdreg s24  }
0x15: {  	s20 =	simm.s32 $0xF;
	s21 =	simm.s32 $0xA600;
	[dreg:$0x7] =	wrdreg s6  }
0x16: {  	s26 =	simm.s32 $0x2;
	[dreg:$0xa] =	wrdreg s0;
	s23 =	simm.s32 $0xA  }
0x17: {  	s24 =	simm.s32 $0x10;
	s0 =	simm.s32 $0xC;
	s6 =	simm.s32 $0x19600  }
.LBB2_25:
0x18: {  	_ =	swait.ge [sflag:s8], $0x5000  }
0x19: {  	[sflag:s8] =	ssyncset.done $0x0  }
0x1a: {  	[sflag:s8] =	ssyncadd.s32 $0xFFFFB000  }
0x1b: {  	_ =	swait.ge [sflag:s11], $0x5000  }
0x1c: {  	[sflag:s11] =	ssyncset.done $0x0  }
0x1d: {  	s5 =	simm.s32 $0x9;
	[sflag:s11] =	ssyncadd.s32 $0xFFFFB000  }
0x1e: {  	_ =	swait.ge [sflag:s5], $0x5000  }
0x1f: {  	[sflag:s5] =	ssyncset.done $0x0  }
0x20: {  	[sflag:s5] =	ssyncadd.s32 $0xFFFFB000  }
0x21: {  	_ =	swait.ge [sflag:s23], $0x5000  }
0x22: {  	[sflag:s23] =	ssyncset.done $0x0  }
0x23: {  	[sflag:s23] =	ssyncadd.s32 $0xFFFFB000  }
0x24: {  	_ =	swait.ge [sflag:s28], $0x5000  }
0x25: {  	[sflag:s28] =	ssyncset.done $0x0  }
0x26: {  	[sflag:s28] =	ssyncadd.s32 $0xFFFFB000  }
0x27: {  	_ =	swait.ge [sflag:s0], $0x5000  }
0x28: {  	s15 =	rddreg [dreg:$0xb]  }
0x29: {  	s30 =	rddreg [dreg:$0x8];
	s15 =	sadd.s32 $0x1, s15  }
0x2a: {  	p0 =	sne.s32 s15, s30  }
.Ltmp1:
0x2b: {  	_ = 	snop;
	(pc) =	sbr.rel @!p0 .LBB2_26-.Ltmp1, $3  }
0x2c: {  	_ =	sdelay $0x1  }
0x2d: {  	[sflag:s0] =	ssyncset.done $0x0  }
0x2e: {  	[sflag:s0] =	ssyncadd.s32 $0xFFFFB000  }
.LBB2_1:
0x2f: {  	[dreg:$0xb] =	wrdreg s15  }
0x30: {  	s5 =	rddreg [dreg:$0x4]  }
0x31: {  	[tilespmem:s3], [sflag:$0xD] =	stream.linear.gather [hbm4b:s5+s3], $0xA0, $0x38;
	[tilespmem:$0x1E600] =	vst v63  }
0x32: {  	s15 =	rddreg [dreg:$0x5];
	s17 =	simm.s32 $0x100  }
0x33: {  	[tilespmem:s17], [sflag:$0xE] =	stream.linear.gather [hbm4b:s15+s3], $0xA0, $0x38;
	[tilespmem:$0x1E600] =	vst v63  }
0x34: {  	_ =	swait.ge [sflag:s13], $0xA0  }
0x35: {  	[sflag:s13] =	ssyncset.done $0x0  }
0x36: {  	s18 =	simm.s32 $0x600;
	[sflag:s13] =	ssyncadd.s32 $0xFFFFFF60  }
0x37: {  	[tilespmem:s18], [sflag:$0x1] =	stream.indirect.gather [hbm4b:s1+s14], $0x80, s3, s14, $0xb8;
	[tilespmem:$0x1E600] =	vst v63  }
0x38: {  	_ =	swait.ge [sflag:s16], $0xA0  }
0x39: {  	[sflag:s16] =	ssyncset.done $0x0  }
0x3a: {  	s19 =	simm.s32 $0x5600;
	s15 =	rddreg [dreg:$0x6];
	[sflag:s16] =	ssyncadd.s32 $0xFFFFFF60  }
0x3b: {  	[tilespmem:s19], [sflag:$0x2] =	stream.indirect.gather [hbm4b:s1+s14], $0x80, s17, s14, $0xb8;
	[tilespmem:$0x1E600] =	vst v63  }
.Ltmp2:
0x3c: {  	s18 =	rddreg [dreg:$0x7];
	s17 =	simm.s32 $0x200;
	(pc) =	sbr.rel .LBB2_2-.Ltmp2, $4  }
0x3d: {  	[tilespmem:s17], [sflag:$0xF] =	stream.linear.gather [hbm4b:s15+s3], $0xA0, $0x38;
	[tilespmem:$0x1E600] =	vst v63  }
0x3e: {  	s30 =	rddreg [dreg:$0x9];
	s19 =	simm.s32 $0x300  }
0x3f: {  	[tilespmem:s19], [sflag:$0x10] =	stream.linear.gather [hbm4b:s18+s3], $0xA0, $0x38;
	[tilespmem:$0x1E600] =	vst v63  }
0x40: {  	s5 =	simm.s32 $0x0;
	s19 =	rddreg [dreg:$0xa]  }
.LBB2_21:
0x41: {  	_ =	swait.ge [sflag:s11], $0x5000  }
0x42: {  	[sflag:s11] =	ssyncset.done $0x0  }
0x43: {  	[sflag:s11] =	ssyncadd.s32 $0xFFFFB000  }
0x44: {  	_ =	swait.ge [sflag:s16], $0xA0  }
0x45: {  	s15 =	simm.s32 $0x100;
	[sflag:s16] =	ssyncset.done $0x0  }
0x46: {  	s17 =	simm.s32 $0x5600;
	p0 =	sgt.u32 s30, $0xE25;
	[sflag:s16] =	ssyncadd.s32 $0xFFFFFF60  }
0x47: {  	[tilespmem:s17], [sflag:$0x2] =	stream.indirect.gather [hbm4b:s1+s14], $0x80, s15, s14, $0xb8;
	[tilespmem:$0x1E600] =	vst v63  }
0x48: {  	s15 =	sadd.s32 @!p0 s5, s9  }
0x49: {  	s18 =	simm.s32 @!p0 $0x300;
	s17 =	simm.s32 @!p0 $0x0;
	s15 =	sadd.s32 @!p0 $0x1680, s15  }
0x4a: {  	[tilespmem:s18], [sflag:$0x10] =	stream.linear.gather @!p0 [hbm4b:s15+s17], $0xA0, $0x38;
	[tilespmem:$0x1E600] =	vst v63  }
.LBB2_23:
0x4b: {  	_ =	swait.ge [sflag:s12], $0x5000  }
0x4c: {  	[sflag:s12] =	ssyncset.done $0x0  }
0x4d: {  	[sflag:s12] =	ssyncadd.s32 $0xFFFFB000  }
0x4e: {  	[hbm4b:s19+s3] =	stream.linear.scatter [tilespmem:s6], [sflag:$0xC], $0x5000, $0x38;
	[tilespmem:$0x1E600] =	vst v63  }
.LBB2_24:
0x4f: {  	s5 =	sadd.s32 $0xF00, s5  }
0x50: {  	p0 =	sne.s32 s5, $0x12C00  }
.Ltmp3:
0x51: {  	_ = 	snop;
	(pc) =	sbr.rel @!p0 .LBB2_25-.Ltmp3, $2  }
0x52: {  	_ =	sdelay $0x2  }
0x53: {  	s30 =	sadd.s32 $0xC0, s30;
	s19 =	sadd.s32 $0x78000, s19  }
.LBB2_2:
0x54: {  	p0 =	seq.s32 s5, $0x0  }
0x55: {  	s18 =	simm.s32 @!p0 $0x9  }
0x56: {  	_ =	swait.ge @!p0 [sflag:s18], $0x5000  }
0x57: {  	[sflag:s18] =	ssyncset.done @!p0 $0x0  }
0x58: {  	[sflag:s18] =	ssyncadd.s32 @!p0 $0xFFFFB000  }
0x59: {  	s17 =	sadd.s32 $0xFFFFFF60, s30;
	_ =	swait.ge [sflag:s20], $0xA0  }
0x5a: {  	p1 =	sgt.u32 s17, $0xE25;
	[sflag:s20] =	ssyncset.done $0x0  }
0x5b: {  	s15 =	simm.s32 $0x200;
	s18 =	sadd.s32 @!p1 s5, s9;
	[sflag:s20] =	ssyncadd.s32 $0xFFFFFF60  }
0x5c: {  	[tilespmem:s21], [sflag:$0x3] =	stream.indirect.gather [hbm4b:s1+s14], $0x80, s15, s14, $0xb8;
	[tilespmem:$0x1E600] =	vst v63  }
0x5d: {  	s17 =	simm.s32 @!p1 $0x400;
	s18 =	sadd.s32 @!p1 $0xA00, s18;
	s15 =	simm.s32 @!p1 $0x0  }
0x5e: {  	[tilespmem:s17], [sflag:$0x11] =	stream.linear.gather @!p1 [hbm4b:s18+s15], $0xA0, $0x38;
	[tilespmem:$0x1E600] =	vst v63  }
0x5f: {  	_ =	swait.ge [sflag:s22], $0x5000  }
0x60: {  	[sflag:s22] =	ssyncset.done $0x0  }
0x61: {  	s17 =	sadd.s32 $0xFFF9C000, s19;
	s18 =	simm.s32 $0x600;
	[sflag:s22] =	ssyncadd.s32 $0xFFFFB000  }
0x62: {  	[hbm4b:s17+s3] =	stream.linear.scatter [tilespmem:s18], [sflag:$0x7], $0x5000, $0x38;
	[tilespmem:$0x1E600] =	vst v63  }
0x63: {  	s18 =	sadd.s32 $0xFFFFFF80, s30  }
0x64: {  	p1 =	sgt.u32 @!p0 s18, $0xE65  }
0x65: {  	p1 =	por p0, p1  }
.Ltmp4:
0x66: {  	_ = 	snop;
	(pc) =	sbr.rel @p1 .LBB2_4-.Ltmp4, $1  }
0x67: {  	_ =	sdelay $0x3  }
0x68: {  	_ =	swait.ge [sflag:s23], $0x5000  }
0x69: {  	[sflag:s23] =	ssyncset.done $0x0  }
0x6a: {  	[sflag:s23] =	ssyncadd.s32 $0xFFFFB000  }
.LBB2_5:
0x6b: {  	_ =	swait.ge [sflag:s24], $0xA0  }
0x6c: {  	[sflag:s24] =	ssyncset.done $0x0  }
0x6d: {  	s15 =	simm.s32 $0x300;
	p1 =	sgt.u32 s18, $0xE25;
	[sflag:s24] =	ssyncadd.s32 $0xFFFFFF60  }
0x6e: {  	[tilespmem:s25], [sflag:$0x4] =	stream.indirect.gather [hbm4b:s1+s14], $0x80, s15, s14, $0xb8;
	[tilespmem:$0x1E600] =	vst v63  }
0x6f: {  	s15 =	sadd.s32 @!p1 s5, s9  }
0x70: {  	s17 =	simm.s32 @!p1 $0x0;
	s18 =	simm.s32 @!p1 $0x500;
	s15 =	sadd.s32 @!p1 $0xC80, s15  }
0x71: {  	[tilespmem:s18], [sflag:$0x12] =	stream.linear.gather @!p1 [hbm4b:s15+s17], $0xA0, $0x38;
	[tilespmem:$0x1E600] =	vst v63  }
.LBB2_6:
0x72: {  	s18 =	sadd.s32 $0xFFFFFFA0, s30  }
0x73: {  	p1 =	sgt.u32 @!p0 s18, $0xE65  }
0x74: {  	p1 =	por p0, p1  }
.Ltmp5:
0x75: {  	_ = 	snop;
	(pc) =	sbr.rel @p1 .LBB2_8-.Ltmp5, $4  }
0x76: {  	_ =	swait.ge [sflag:s26], $0x5000  }
0x77: {  	[sflag:s26] =	ssyncset.done $0x0  }
0x78: {  	s15 =	sadd.s32 $0xFFFB0000, s19;
	s17 =	simm.s32 $0x5600;
	[sflag:s26] =	ssyncadd.s32 $0xFFFFB000  }
0x79: {  	[hbm4b:s15+s3] =	stream.linear.scatter [tilespmem:s17], [sflag:$0x8], $0x5000, $0x38;
	[tilespmem:$0x1E600] =	vst v63  }
0x7a: {  	_ =	swait.ge [sflag:s28], $0x5000  }
0x7b: {  	[sflag:s28] =	ssyncset.done $0x0  }
0x7c: {  	[sflag:s28] =	ssyncadd.s32 $0xFFFFB000  }
.LBB2_9:
0x7d: {  	_ =	swait.ge [sflag:s29], $0xA0  }
0x7e: {  	[sflag:s29] =	ssyncset.done $0x0  }
0x7f: {  	s15 =	simm.s32 $0x400;
	p1 =	sgt.u32 s18, $0xE25;
	[sflag:s29] =	ssyncadd.s32 $0xFFFFFF60  }
0x80: {  	[tilespmem:s31], [sflag:$0x5] =	stream.indirect.gather [hbm4b:s1+s14], $0x80, s15, s14, $0xb8;
	[tilespmem:$0x1E600] =	vst v63  }
0x81: {  	s15 =	sadd.s32 @!p1 s5, s9  }
0x82: {  	s17 =	simm.s32 @!p1 $0x0;
	s15 =	sadd.s32 @!p1 $0xF00, s15  }
0x83: {  	[tilespmem:s17], [sflag:$0xD] =	stream.linear.gather @!p1 [hbm4b:s15+s17], $0xA0, $0x38;
	[tilespmem:$0x1E600] =	vst v63  }
.LBB2_10:
0x84: {  	s18 =	sadd.s32 $0xFFFFFFC0, s30  }
0x85: {  	p1 =	sgt.u32 @!p0 s18, $0xE65  }
0x86: {  	p0 =	por p0, p1  }
.Ltmp6:
0x87: {  	_ = 	snop;
	(pc) =	sbr.rel @p0 .LBB2_12-.Ltmp6, $4  }
0x88: {  	_ =	swait.ge [sflag:s2], $0x5000  }
0x89: {  	[sflag:s2] =	ssyncset.done $0x0  }
0x8a: {  	s15 =	sadd.s32 $0xFFFC4000, s19;
	[sflag:s2] =	ssyncadd.s32 $0xFFFFB000  }
0x8b: {  	[hbm4b:s15+s3] =	stream.linear.scatter [tilespmem:s21], [sflag:$0x9], $0x5000, $0x38;
	[tilespmem:$0x1E600] =	vst v63  }
0x8c: {  	_ =	swait.ge [sflag:s0], $0x5000  }
0x8d: {  	[sflag:s0] =	ssyncset.done $0x0  }
0x8e: {  	[sflag:s0] =	ssyncadd.s32 $0xFFFFB000  }
.LBB2_13:
0x8f: {  	_ =	swait.ge [sflag:s4], $0xA0  }
0x90: {  	[sflag:s4] =	ssyncset.done $0x0  }
0x91: {  	s15 =	simm.s32 $0x500;
	p0 =	sgt.u32 s18, $0xE25;
	[sflag:s4] =	ssyncadd.s32 $0xFFFFFF60  }
0x92: {  	[tilespmem:s6], [sflag:$0x6] =	stream.indirect.gather [hbm4b:s1+s14], $0x80, s15, s14, $0xb8;
	[tilespmem:$0x1E600] =	vst v63  }
0x93: {  	s15 =	sadd.s32 @!p0 s5, s9  }
0x94: {  	s17 =	simm.s32 @!p0 $0x0;
	s18 =	simm.s32 @!p0 $0x100;
	s15 =	sadd.s32 @!p0 $0x1180, s15  }
0x95: {  	[tilespmem:s18], [sflag:$0xE] =	stream.linear.gather @!p0 [hbm4b:s15+s17], $0xA0, $0x38;
	[tilespmem:$0x1E600] =	vst v63  }
.LBB2_15:
0x96: {  	_ =	swait.ge [sflag:s7], $0x5000  }
0x97: {  	[sflag:s7] =	ssyncset.done $0x0  }
0x98: {  	s15 =	sadd.s32 $0xFFFD8000, s19;
	[sflag:s7] =	ssyncadd.s32 $0xFFFFB000  }
0x99: {  	[hbm4b:s15+s3] =	stream.linear.scatter [tilespmem:s25], [sflag:$0xA], $0x5000, $0x38;
	[tilespmem:$0x1E600] =	vst v63  }
.LBB2_16:
0x9a: {  	s18 =	sadd.s32 $0xFFFFFFE0, s30  }
0x9b: {  	p0 =	sgt.u32 s18, $0xE65  }
.Ltmp7:
0x9c: {  	_ = 	snop;
	(pc) =	sbr.rel @p0 .LBB2_18-.Ltmp7, $1  }
0x9d: {  	_ =	sdelay $0x3  }
0x9e: {  	_ =	swait.ge [sflag:s8], $0x5000  }
0x9f: {  	[sflag:s8] =	ssyncset.done $0x0  }
0xa0: {  	[sflag:s8] =	ssyncadd.s32 $0xFFFFB000  }
0xa1: {  	_ =	swait.ge [sflag:s13], $0xA0  }
0xa2: {  	s15 =	simm.s32 $0x600;
	[sflag:s13] =	ssyncset.done $0x0  }
.Ltmp8:
0xa3: {  	p0 =	sgt.u32 s18, $0xE25;
	[sflag:s13] =	ssyncadd.s32 $0xFFFFFF60;
	(pc) =	sbr.rel .LBB2_19-.Ltmp8, $4  }
0xa4: {  	[tilespmem:s15], [sflag:$0x1] =	stream.indirect.gather [hbm4b:s1+s14], $0x80, s3, s14, $0xb8;
	[tilespmem:$0x1E600] =	vst v63  }
0xa5: {  	s15 =	sadd.s32 @!p0 s5, s9  }
0xa6: {  	s17 =	simm.s32 @!p0 $0x0;
	s18 =	simm.s32 @!p0 $0x200;
	s15 =	sadd.s32 @!p0 $0x1400, s15  }
0xa7: {  	[tilespmem:s18], [sflag:$0xF] =	stream.linear.gather @!p0 [hbm4b:s15+s17], $0xA0, $0x38;
	[tilespmem:$0x1E600] =	vst v63  }
.LBB2_18:
0xa8: {  	p0 =	sgt.u32 s18, $0xEA5  }
.Ltmp9:
0xa9: {  	_ = 	snop;
	(pc) =	sbr.rel @p0 .LBB2_20-.Ltmp9, $1  }
0xaa: {  	_ =	sdelay $0x3  }
.LBB2_19:
0xab: {  	_ =	swait.ge [sflag:s10], $0x5000  }
0xac: {  	[sflag:s10] =	ssyncset.done $0x0  }
0xad: {  	s15 =	sadd.s32 $0xFFFEC000, s19;
	[sflag:s10] =	ssyncadd.s32 $0xFFFFB000  }
0xae: {  	[hbm4b:s15+s3] =	stream.linear.scatter [tilespmem:s31], [sflag:$0xB], $0x5000, $0x38;
	[tilespmem:$0x1E600] =	vst v63  }
.LBB2_20:
0xaf: {  	p0 =	sgt.u32 s30, $0xE65  }
.Ltmp10:
0xb0: {  	_ = 	snop;
	(pc) =	sbr.rel @!p0 .LBB2_21-.Ltmp10, $1  }
0xb1: {  	_ =	sdelay $0x3  }
0xb2: {  	p0 =	sgt.u32 s30, $0xEA5  }
.Ltmp11:
0xb3: {  	_ = 	snop;
	(pc) =	sbr.rel @p0 .LBB2_24-.Ltmp11, $4  }
.Ltmp12:
0xb4: {  	_ = 	snop;
	(pc) =	sbr.rel @!p0 .LBB2_23-.Ltmp12, $4  }
0xb5: {  	_ = 	snop  }
0xb6: {  	_ = 	snop  }
0xb7: {  	_ = 	snop  }
0xb8: {  	_ = 	snop  }
.LBB2_4:
0xb9: {  	p1 =	sgt.u32 s18, $0xE65  }
.Ltmp13:
0xba: {  	_ = 	snop;
	(pc) =	sbr.rel @p1 .LBB2_6-.Ltmp13, $4  }
.Ltmp14:
0xbb: {  	_ = 	snop;
	(pc) =	sbr.rel @!p1 .LBB2_5-.Ltmp14, $4  }
0xbc: {  	_ = 	snop  }
0xbd: {  	_ = 	snop  }
0xbe: {  	_ = 	snop  }
0xbf: {  	_ = 	snop  }
.LBB2_8:
0xc0: {  	p1 =	sgt.u32 s18, $0xE65  }
.Ltmp15:
0xc1: {  	_ = 	snop;
	(pc) =	sbr.rel @p1 .LBB2_10-.Ltmp15, $4  }
.Ltmp16:
0xc2: {  	_ = 	snop;
	(pc) =	sbr.rel @!p1 .LBB2_9-.Ltmp16, $4  }
0xc3: {  	_ = 	snop  }
0xc4: {  	_ = 	snop  }
0xc5: {  	_ = 	snop  }
0xc6: {  	_ = 	snop  }
.LBB2_12:
0xc7: {  	p0 =	sgt.u32 s18, $0xE65  }
.Ltmp17:
0xc8: {  	_ = 	snop;
	(pc) =	sbr.rel @!p0 .LBB2_13-.Ltmp17, $1  }
0xc9: {  	_ =	sdelay $0x3  }
0xca: {  	p0 =	sgt.u32 s18, $0xEA5  }
.Ltmp18:
0xcb: {  	_ = 	snop;
	(pc) =	sbr.rel @p0 .LBB2_16-.Ltmp18, $4  }
.Ltmp19:
0xcc: {  	_ = 	snop;
	(pc) =	sbr.rel @!p0 .LBB2_15-.Ltmp19, $4  }
0xcd: {  	_ = 	snop  }
0xce: {  	_ = 	snop  }
0xcf: {  	_ = 	snop  }
0xd0: {  	_ = 	snop  }
.LBB2_26:
0xd1: {  	_ =	sfence.sel $0x180000  }
0xd2: {  	[bflag:$0x0] =	sbarrier.arrive $0xFFFF  }
0xd3: {  	_ =	strace $0x90000047  }
0xd4: {  	s0 =	stileid.u32;
	[bflag:$0x2] =	sbarrier.arrive $0xFFFF  }
0xd5: {  	p0 =	sne.s32 s0, $0x0;
	s0 =	rddreg [dreg:$0x3]  }
0xd6: {  	s0 =	sadd.s32 @!p0 $0x100000, s0  }
0xd7: {  	[sflag:s0] =	ssyncadd.tile.s32 @!p0 $0x1;
	_ =	shalt  }
.Lfunc_end2:
_tile_overlayer_lowered:
.L_overlay_start_2:
0xd8: {  	(tag) =	ssettag $0x2  }
0xd9: {  	s0 =	rddreg [dreg:$0x0];
	s2 =	stileid.u32  }
0xda: {  	s1 =	rddreg [dreg:$0x1];
	p0 =	sne.s32 s2, $0x0  }
0xdb: {  	s3 =	rddreg [dreg:$0x2];
	[bflag:$0x3] =	sbarrier.arrive $0xFFFF;
	s2 =	simm.s32 @!p0 $0x1C13  }
0xdc: {  	[timem:s3], [sflag:s2] =	dma.local @!p0 [hbm:s0], s1  }
0xdd: {  	s0 =	simm.s32 @!p0 $0x13  }
0xde: {  	_ =	swait.ge @!p0 [sflag:s0], s1  }
0xdf: {  	s1 =	ssub.s32 @!p0 $0x0, s1;
	[sflag:s0] =	ssyncset.done @!p0 $0x0  }
0xe0: {  	[sflag:s0] =	ssyncadd.s32 @!p0 s1  }
0xe1: {  	[bflag:$0x3] =	sbarrier.arrive $0xFFFF  }
0xe2: {  	_ =	shalt  }

</sc_bundles>
